<compile_context>
chip_gen: v7x
topology: tpu7x:2x2x1
jax: 0.10.2.dev20260603
libtpu: 0.0.44.dev20260713+nightly
codegen_flags: <defaults>
</compile_context>

<pallas_src>
import functools
import jax
import jax.numpy as jnp
from jax import lax
from jax.experimental import pallas as pl
from jax.experimental.pallas import tpu as pltpu
from jax.experimental.pallas import tpu_sc as plsc

N, V, C = 1024, 98, 128
HALF = 512
PER_W = HALF // 32


def _sc_body(p_hbm, out_hbm, v0, v1, acc, sm0, sm1):
    wid = lax.axis_index("s") * 2 + lax.axis_index("c")
    base = wid * PER_W
    bufs = [v0, v1]
    sems = [sm0, sm1]
    acc[...] = jnp.zeros((16,), jnp.float32)

    def cp(j):
        return pltpu.make_async_copy(p_hbm.at[0, base + j], bufs[j % 2],
                                     sems[j % 2])

    cp(0).start()
    for j in range(PER_W):
        if j + 1 < PER_W:
            cp(j + 1).start()
        cp(j).wait()
        acc[...] = acc[...] + bufs[j % 2][0, 0:16]
    pltpu.sync_copy(acc, out_hbm.at[wid])


_mesh = plsc.VectorSubcoreMesh(core_axis_name="c", subcore_axis_name="s")
_sc_call = functools.partial(
    pl.kernel, mesh=_mesh,
    out_type=jax.ShapeDtypeStruct((32, 16), jnp.float32),
    scratch_types=[pltpu.VMEM((V, C), jnp.float32),
                   pltpu.VMEM((V, C), jnp.float32),
                   pltpu.VMEM((16,), jnp.float32),
                   pltpu.SemaphoreType.DMA,
                   pltpu.SemaphoreType.DMA],
)(_sc_body)


def _tc_body(p_ref, x_ref):
    p = p_ref[0]
    x_ref[...] = jnp.mean(p, axis=1)


@jax.jit
def kernel(patches, patch_positions, Wqkv, Wproj, bproj):
    B, n, v, c = patches.shape
    sc_out = _sc_call(patches)
    x_hi = pl.pallas_call(
        _tc_body,
        grid=(4,),
        in_specs=[pl.BlockSpec((1, 128, v, c), lambda i: (0, i + 4, 0, 0))],
        out_specs=pl.BlockSpec((128, c), lambda i: (i, 0)),
        out_shape=jax.ShapeDtypeStruct((HALF, c), jnp.float32),
    )(patches)
    lo = jnp.tile(sc_out, (16, 8))
    return jnp.concatenate([lo, x_hi], axis=0).reshape(B, n, c)

# --- scband reference (transcript-rebuilt; emitter-appended) ---
"""Pipeline reference for scband-density-proximity-cross-block-attention-22634477650388 (READ-ONLY COPY).

The authoritative reference and input builder live on the scoring server;
editing this copy changes nothing except your own understanding.
"""

import jax, jax.numpy as jnp
import numpy as np

DIM = 128
NUM_HEADS = 8
HEAD_DIM = DIM // NUM_HEADS
SCALE = HEAD_DIM ** -0.5
PATCH_SIZE = (2, 7, 7)
NUM_CONNECTIONS = 4
LOCAL_RADIUS = 1
DENSITY_WEIGHT = 1.0
PROXIMITY_WEIGHT = 1.0
SPATIAL_SIGMA = 32.0
TEMPORAL_SIGMA = 2.0
T, H, W = 8, 112, 112


def _patch_positions():
    bT, bH, bW = PATCH_SIZE
    nT, nH, nW = T // bT, H // bH, W // bW
    t = np.arange(nT) * bT + bT // 2
    h = np.arange(nH) * bH + bH // 2
    w = np.arange(nW) * bW + bW // 2
    tt, hh, ww = np.meshgrid(t, h, w, indexing='ij')
    return jnp.asarray(np.stack([tt, hh, ww], -1).reshape(-1, 3), dtype=jnp.int32)


def setup_inputs(seed: int = 0):
    key = jax.random.key(seed)
    k1, k2, k3 = jax.random.split(key, 3)
    N = (T // PATCH_SIZE[0]) * (H // PATCH_SIZE[1]) * (W // PATCH_SIZE[2])
    V = PATCH_SIZE[0] * PATCH_SIZE[1] * PATCH_SIZE[2]
    patches = jax.random.normal(k1, (1, N, V, DIM), dtype=jnp.float32)
    Wqkv = jax.random.normal(k2, (DIM, 3 * DIM), dtype=jnp.float32) * 0.02
    Wproj = jax.random.normal(k3, (DIM, DIM), dtype=jnp.float32) * 0.02
    bproj = jnp.zeros((DIM,), dtype=jnp.float32)
    return {'patches': patches, 'patch_positions': _patch_positions(), 'Wqkv': Wqkv, 'Wproj': Wproj, 'bproj': bproj}


def _scores(patches, pos):
    # density: mean per-voxel feature norm per patch, normalized by per-batch max
    density = jnp.linalg.norm(patches, axis=-1).mean(axis=-1)  # (B, N)
    density = density / (density.max(axis=1, keepdims=True) + 1e-08)
    t = pos[:, 0:1]; h = pos[:, 1:2]; w = pos[:, 2:3]
    t_dist = jnp.abs(t - t.T) * PATCH_SIZE[0]
    h_dist = jnp.abs(h - h.T) * PATCH_SIZE[1]
    w_dist = jnp.abs(w - w.T) * PATCH_SIZE[2]
    spatial = jnp.exp(-jnp.sqrt(h_dist ** 2 + w_dist ** 2) / SPATIAL_SIGMA)
    temporal = jnp.exp(-t_dist / TEMPORAL_SIGMA)
    prox = spatial * temporal  # (N, N)
    geo = jnp.sqrt(density[:, :, None] * density[:, None, :] + 1e-08)
    return DENSITY_WEIGHT * geo + PROXIMITY_WEIGHT * prox[None]


def _sparse_mask(scores):
    sm = scores.mean(0)
    N = sm.shape[0]
    _, idx = jax.lax.top_k(sm, NUM_CONNECTIONS)  # top num_connections per row
    m = jnp.zeros((N, N), dtype=bool).at[jnp.arange(N)[:, None], idx].set(True)
    i = jnp.arange(N)
    band = jnp.abs(i[:, None] - i[None, :]) <= LOCAL_RADIUS  # always-on local window
    return m | band


def reference(patches, patch_positions, Wqkv, Wproj, bproj):
    B, N, V, C = patches.shape
    pos = patch_positions.astype(jnp.float32)
    scores = _scores(patches, pos)
    mask = _sparse_mask(scores)
    x = patches.mean(axis=2)  # (B, N, C) patch tokens
    qkv = (x @ Wqkv).reshape(B, N, 3, NUM_HEADS, HEAD_DIM).transpose(2, 0, 3, 1, 4)
    q, k, v = qkv[0], qkv[1], qkv[2]
    attn = jnp.einsum('bhnd,bhmd->bhnm', q, k) * SCALE
    attn = jnp.where(mask[None, None], attn, -1e9)
    attn = jax.nn.softmax(attn, axis=-1)
    out = jnp.einsum('bhnm,bhmd->bhnd', attn, v).transpose(0, 2, 1, 3).reshape(B, N, C)
    return out @ Wproj + bproj

if __name__ == "__main__":
    import jax
    _d = setup_inputs()
    print(jax.jit(kernel)(*tuple(_d.values())))

</pallas_src>

<mosaic_0001>
#map = affine_map<(d0, d1) -> (0, 0, 0, 0)>
#map1 = affine_map<(d0, d1) -> (0, 0)>
module attributes {stable_mosaic.version = 14 : i64} {
  func.func @_sc_body(%arg0: i32, %arg1: i32, %arg2: memref<1x1024x98x128xf32, #tpu.memory_space<hbm>>, %arg3: memref<32x16xf32, #tpu.memory_space<hbm>>, %arg4: memref<98x128xf32, #tpu.memory_space<vmem>>, %arg5: memref<98x128xf32, #tpu.memory_space<vmem>>, %arg6: memref<16xf32, #tpu.memory_space<vmem>>, %arg7: memref<!tpu.dma_semaphore, #tpu.memory_space<semaphore_mem>>, %arg8: memref<!tpu.dma_semaphore, #tpu.memory_space<semaphore_mem>>) attributes {dimension_semantics = [#tpu.dimension_semantics<core_parallel>, #tpu.dimension_semantics<subcore_parallel>], iteration_bounds = array<i64: 2, 16>, scalar_prefetch = 0 : i64, scratch_operands = 5 : i64, tpu.core_type = #tpu.core_type<sc_vector_subcore>, window_params = [{transform_indices = #map}, {transform_indices = #map1}]} {
    %mul3A = arith.constant 2 : i32
    %mul3A_0 = arith.muli %arg1, %mul3A : i32
    %add3A = arith.addi %mul3A_0, %arg0 : i32
    %mul3A_1 = arith.constant 16 : i32
    %mul3A_2 = arith.muli %add3A, %mul3A_1 : i32
    %broadcast_in_dim3A = arith.constant 0.000000e+00 : f32
    %broadcast_in_dim3A_3 = vector.broadcast %broadcast_in_dim3A : f32 to vector<16xf32>
    %swap3A = arith.constant 0 : index
    %swap3A_4 = tpu.vector_load %arg6[%swap3A] {strides = array<i32>} : memref<16xf32, #tpu.memory_space<vmem>>, vector<16xf32>,
    %swap3A_5 = vector.shape_cast %swap3A_4 : vector<16xf32> to vector<16xf32>
    %swap3A_6 = vector.shape_cast %broadcast_in_dim3A_3 : vector<16xf32> to vector<16xf32>
    tpu.vector_store %arg6[%swap3A], %swap3A_6 {strides = array<i32>} : memref<16xf32, #tpu.memory_space<vmem>>, vector<16xf32>,
    %add3A_7 = arith.constant 0 : i32
    %add3A_8 = arith.addi %mul3A_2, %add3A_7 : i32
    %dma_start3A = arith.constant 0 : i32
    %dma_start3A_9 = arith.constant 0 : i32
    %dma_start3A_10 = arith.constant 0 : i32
    %dma_start3A_11 = tpu.memref_slice %arg2[%dma_start3A, %add3A_8, %dma_start3A_9, %dma_start3A_10] : memref<1x1024x98x128xf32, #tpu.memory_space<hbm>> -> memref<1x1x98x128xf32, #tpu.memory_space<hbm>>
    %dma_start3A_12 = tpu.memref_squeeze %dma_start3A_11 : memref<1x1x98x128xf32, #tpu.memory_space<hbm>> -> memref<98x128xf32, #tpu.memory_space<hbm>>
    %dma_start3A_13 = arith.constant 0 : i32
    %dma_start3A_14 = arith.constant 0 : i32
    %dma_start3A_15 = tpu.memref_slice %arg2[%dma_start3A, %add3A_8, %dma_start3A_13, %dma_start3A_14] : memref<1x1024x98x128xf32, #tpu.memory_space<hbm>> -> memref<1x1x98x128xf32, #tpu.memory_space<hbm>>
    %dma_start3A_16 = tpu.memref_squeeze %dma_start3A_15 : memref<1x1x98x128xf32, #tpu.memory_space<hbm>> -> memref<98x128xf32, #tpu.memory_space<hbm>>
    tpu.enqueue_dma source(%dma_start3A_16 : memref<98x128xf32, #tpu.memory_space<hbm>>) target(%arg4 : memref<98x128xf32, #tpu.memory_space<vmem>>) target_semaphore(%arg7 : memref<!tpu.dma_semaphore, #tpu.memory_space<semaphore_mem>>)
    %add3A_17 = arith.constant 1 : i32
    %add3A_18 = arith.addi %mul3A_2, %add3A_17 : i32
    %dma_start3A_19 = arith.constant 0 : i32
    %dma_start3A_20 = arith.constant 0 : i32
    %dma_start3A_21 = arith.constant 0 : i32
    %dma_start3A_22 = tpu.memref_slice %arg2[%dma_start3A_19, %add3A_18, %dma_start3A_20, %dma_start3A_21] : memref<1x1024x98x128xf32, #tpu.memory_space<hbm>> -> memref<1x1x98x128xf32, #tpu.memory_space<hbm>>
    %dma_start3A_23 = tpu.memref_squeeze %dma_start3A_22 : memref<1x1x98x128xf32, #tpu.memory_space<hbm>> -> memref<98x128xf32, #tpu.memory_space<hbm>>
    %dma_start3A_24 = arith.constant 0 : i32
    %dma_start3A_25 = arith.constant 0 : i32
    %dma_start3A_26 = tpu.memref_slice %arg2[%dma_start3A_19, %add3A_18, %dma_start3A_24, %dma_start3A_25] : memref<1x1024x98x128xf32, #tpu.memory_space<hbm>> -> memref<1x1x98x128xf32, #tpu.memory_space<hbm>>
    %dma_start3A_27 = tpu.memref_squeeze %dma_start3A_26 : memref<1x1x98x128xf32, #tpu.memory_space<hbm>> -> memref<98x128xf32, #tpu.memory_space<hbm>>
    tpu.enqueue_dma source(%dma_start3A_27 : memref<98x128xf32, #tpu.memory_space<hbm>>) target(%arg5 : memref<98x128xf32, #tpu.memory_space<vmem>>) target_semaphore(%arg8 : memref<!tpu.dma_semaphore, #tpu.memory_space<semaphore_mem>>)
    %add3A_28 = arith.constant 0 : i32
    %add3A_29 = arith.addi %mul3A_2, %add3A_28 : i32
    %dma_wait3A = arith.constant 0 : i32
    %dma_wait3A_30 = arith.constant 0 : i32
    %dma_wait3A_31 = arith.constant 0 : i32
    %dma_wait3A_32 = tpu.memref_slice %arg2[%dma_wait3A, %add3A_29, %dma_wait3A_30, %dma_wait3A_31] : memref<1x1024x98x128xf32, #tpu.memory_space<hbm>> -> memref<1x1x98x128xf32, #tpu.memory_space<hbm>>
    %dma_wait3A_33 = tpu.memref_squeeze %dma_wait3A_32 : memref<1x1x98x128xf32, #tpu.memory_space<hbm>> -> memref<98x128xf32, #tpu.memory_space<hbm>>
    %dma_wait3A_34 = arith.constant 0 : i32
    %dma_wait3A_35 = arith.constant 0 : i32
    %dma_wait3A_36 = tpu.memref_slice %arg2[%dma_wait3A, %add3A_29, %dma_wait3A_34, %dma_wait3A_35] : memref<1x1024x98x128xf32, #tpu.memory_space<hbm>> -> memref<1x1x98x128xf32, #tpu.memory_space<hbm>>
    %dma_wait3A_37 = tpu.memref_squeeze %dma_wait3A_36 : memref<1x1x98x128xf32, #tpu.memory_space<hbm>> -> memref<98x128xf32, #tpu.memory_space<hbm>>
    tpu.wait_dma2 semaphore(%arg7 : memref<!tpu.dma_semaphore, #tpu.memory_space<semaphore_mem>>) src(%dma_wait3A_37 : memref<98x128xf32, #tpu.memory_space<hbm>>) dst(%arg4 : memref<98x128xf32, #tpu.memory_space<vmem>>)
    %get3A = arith.constant 0 : index
    %get3A_38 = tpu.vector_load %arg6[%get3A] {strides = array<i32>} : memref<16xf32, #tpu.memory_space<vmem>>, vector<16xf32>,
    %get3A_39 = vector.shape_cast %get3A_38 : vector<16xf32> to vector<16xf32>
    %get3A_40 = arith.constant 0 : i32
    %get3A_41 = arith.index_cast %get3A_40 : i32 to index
    %get3A_42 = arith.constant 0 : index
    %get3A_43 = tpu.vector_load %arg4[%get3A_41, %get3A_42] {strides = array<i32>} : memref<98x128xf32, #tpu.memory_space<vmem>>, vector<1x16xf32>,
    %get3A_44 = vector.shape_cast %get3A_43 : vector<1x16xf32> to vector<16xf32>
    %add3A_45 = arith.addf %get3A_39, %get3A_44 : vector<16xf32>
    %swap3A_46 = arith.constant 0 : index
    %swap3A_47 = tpu.vector_load %arg6[%swap3A_46] {strides = array<i32>} : memref<16xf32, #tpu.memory_space<vmem>>, vector<16xf32>,
    %swap3A_48 = vector.shape_cast %swap3A_47 : vector<16xf32> to vector<16xf32>
    %swap3A_49 = vector.shape_cast %add3A_45 : vector<16xf32> to vector<16xf32>
    tpu.vector_store %arg6[%swap3A_46], %swap3A_49 {strides = array<i32>} : memref<16xf32, #tpu.memory_space<vmem>>, vector<16xf32>,
    %add3A_50 = arith.constant 2 : i32
    %add3A_51 = arith.addi %mul3A_2, %add3A_50 : i32
    %dma_start3A_52 = arith.constant 0 : i32
    %dma_start3A_53 = arith.constant 0 : i32
    %dma_start3A_54 = arith.constant 0 : i32
    %dma_start3A_55 = tpu.memref_slice %arg2[%dma_start3A_52, %add3A_51, %dma_start3A_53, %dma_start3A_54] : memref<1x1024x98x128xf32, #tpu.memory_space<hbm>> -> memref<1x1x98x128xf32, #tpu.memory_space<hbm>>
    %dma_start3A_56 = tpu.memref_squeeze %dma_start3A_55 : memref<1x1x98x128xf32, #tpu.memory_space<hbm>> -> memref<98x128xf32, #tpu.memory_space<hbm>>
    %dma_start3A_57 = arith.constant 0 : i32
    %dma_start3A_58 = arith.constant 0 : i32
    %dma_start3A_59 = tpu.memref_slice %arg2[%dma_start3A_52, %add3A_51, %dma_start3A_57, %dma_start3A_58] : memref<1x1024x98x128xf32, #tpu.memory_space<hbm>> -> memref<1x1x98x128xf32, #tpu.memory_space<hbm>>
    %dma_start3A_60 = tpu.memref_squeeze %dma_start3A_59 : memref<1x1x98x128xf32, #tpu.memory_space<hbm>> -> memref<98x128xf32, #tpu.memory_space<hbm>>
    tpu.enqueue_dma source(%dma_start3A_60 : memref<98x128xf32, #tpu.memory_space<hbm>>) target(%arg4 : memref<98x128xf32, #tpu.memory_space<vmem>>) target_semaphore(%arg7 : memref<!tpu.dma_semaphore, #tpu.memory_space<semaphore_mem>>)
    %add3A_61 = arith.constant 1 : i32
    %add3A_62 = arith.addi %mul3A_2, %add3A_61 : i32
    %dma_wait3A_63 = arith.constant 0 : i32
    %dma_wait3A_64 = arith.constant 0 : i32
    %dma_wait3A_65 = arith.constant 0 : i32
    %dma_wait3A_66 = tpu.memref_slice %arg2[%dma_wait3A_63, %add3A_62, %dma_wait3A_64, %dma_wait3A_65] : memref<1x1024x98x128xf32, #tpu.memory_space<hbm>> -> memref<1x1x98x128xf32, #tpu.memory_space<hbm>>
    %dma_wait3A_67 = tpu.memref_squeeze %dma_wait3A_66 : memref<1x1x98x128xf32, #tpu.memory_space<hbm>> -> memref<98x128xf32, #tpu.memory_space<hbm>>
    %dma_wait3A_68 = arith.constant 0 : i32
    %dma_wait3A_69 = arith.constant 0 : i32
    %dma_wait3A_70 = tpu.memref_slice %arg2[%dma_wait3A_63, %add3A_62, %dma_wait3A_68, %dma_wait3A_69] : memref<1x1024x98x128xf32, #tpu.memory_space<hbm>> -> memref<1x1x98x128xf32, #tpu.memory_space<hbm>>
    %dma_wait3A_71 = tpu.memref_squeeze %dma_wait3A_70 : memref<1x1x98x128xf32, #tpu.memory_space<hbm>> -> memref<98x128xf32, #tpu.memory_space<hbm>>
    tpu.wait_dma2 semaphore(%arg8 : memref<!tpu.dma_semaphore, #tpu.memory_space<semaphore_mem>>) src(%dma_wait3A_71 : memref<98x128xf32, #tpu.memory_space<hbm>>) dst(%arg5 : memref<98x128xf32, #tpu.memory_space<vmem>>)
    %get3A_72 = arith.constant 0 : index
    %get3A_73 = tpu.vector_load %arg6[%get3A_72] {strides = array<i32>} : memref<16xf32, #tpu.memory_space<vmem>>, vector<16xf32>,
    %get3A_74 = vector.shape_cast %get3A_73 : vector<16xf32> to vector<16xf32>
    %get3A_75 = arith.constant 0 : i32
    %get3A_76 = arith.index_cast %get3A_75 : i32 to index
    %get3A_77 = arith.constant 0 : index
    %get3A_78 = tpu.vector_load %arg5[%get3A_76, %get3A_77] {strides = array<i32>} : memref<98x128xf32, #tpu.memory_space<vmem>>, vector<1x16xf32>,
    %get3A_79 = vector.shape_cast %get3A_78 : vector<1x16xf32> to vector<16xf32>
    %add3A_80 = arith.addf %get3A_74, %get3A_79 : vector<16xf32>
    %swap3A_81 = arith.constant 0 : index
    %swap3A_82 = tpu.vector_load %arg6[%swap3A_81] {strides = array<i32>} : memref<16xf32, #tpu.memory_space<vmem>>, vector<16xf32>,
    %swap3A_83 = vector.shape_cast %swap3A_82 : vector<16xf32> to vector<16xf32>
    %swap3A_84 = vector.shape_cast %add3A_80 : vector<16xf32> to vector<16xf32>
    tpu.vector_store %arg6[%swap3A_81], %swap3A_84 {strides = array<i32>} : memref<16xf32, #tpu.memory_space<vmem>>, vector<16xf32>,
    %add3A_85 = arith.constant 3 : i32
    %add3A_86 = arith.addi %mul3A_2, %add3A_85 : i32
    %dma_start3A_87 = arith.constant 0 : i32
    %dma_start3A_88 = arith.constant 0 : i32
    %dma_start3A_89 = arith.constant 0 : i32
    %dma_start3A_90 = tpu.memref_slice %arg2[%dma_start3A_87, %add3A_86, %dma_start3A_88, %dma_start3A_89] : memref<1x1024x98x128xf32, #tpu.memory_space<hbm>> -> memref<1x1x98x128xf32, #tpu.memory_space<hbm>>
    %dma_start3A_91 = tpu.memref_squeeze %dma_start3A_90 : memref<1x1x98x128xf32, #tpu.memory_space<hbm>> -> memref<98x128xf32, #tpu.memory_space<hbm>>
    %dma_start3A_92 = arith.constant 0 : i32
    %dma_start3A_93 = arith.constant 0 : i32
    %dma_start3A_94 = tpu.memref_slice %arg2[%dma_start3A_87, %add3A_86, %dma_start3A_92, %dma_start3A_93] : memref<1x1024x98x128xf32, #tpu.memory_space<hbm>> -> memref<1x1x98x128xf32, #tpu.memory_space<hbm>>
    %dma_start3A_95 = tpu.memref_squeeze %dma_start3A_94 : memref<1x1x98x128xf32, #tpu.memory_space<hbm>> -> memref<98x128xf32, #tpu.memory_space<hbm>>
    tpu.enqueue_dma source(%dma_start3A_95 : memref<98x128xf32, #tpu.memory_space<hbm>>) target(%arg5 : memref<98x128xf32, #tpu.memory_space<vmem>>) target_semaphore(%arg8 : memref<!tpu.dma_semaphore, #tpu.memory_space<semaphore_mem>>)
    %add3A_96 = arith.constant 2 : i32
    %add3A_97 = arith.addi %mul3A_2, %add3A_96 : i32
    %dma_wait3A_98 = arith.constant 0 : i32
    %dma_wait3A_99 = arith.constant 0 : i32
    %dma_wait3A_100 = arith.constant 0 : i32
    %dma_wait3A_101 = tpu.memref_slice %arg2[%dma_wait3A_98, %add3A_97, %dma_wait3A_99, %dma_wait3A_100] : memref<1x1024x98x128xf32, #tpu.memory_space<hbm>> -> memref<1x1x98x128xf32, #tpu.memory_space<hbm>>
    %dma_wait3A_102 = tpu.memref_squeeze %dma_wait3A_101 : memref<1x1x98x128xf32, #tpu.memory_space<hbm>> -> memref<98x128xf32, #tpu.memory_space<hbm>>
    %dma_wait3A_103 = arith.constant 0 : i32
    %dma_wait3A_104 = arith.constant 0 : i32
    %dma_wait3A_105 = tpu.memref_slice %arg2[%dma_wait3A_98, %add3A_97, %dma_wait3A_103, %dma_wait3A_104] : memref<1x1024x98x128xf32, #tpu.memory_space<hbm>> -> memref<1x1x98x128xf32, #tpu.memory_space<hbm>>
    %dma_wait3A_106 = tpu.memref_squeeze %dma_wait3A_105 : memref<1x1x98x128xf32, #tpu.memory_space<hbm>> -> memref<98x128xf32, #tpu.memory_space<hbm>>
    tpu.wait_dma2 semaphore(%arg7 : memref<!tpu.dma_semaphore, #tpu.memory_space<semaphore_mem>>) src(%dma_wait3A_106 : memref<98x128xf32, #tpu.memory_space<hbm>>) dst(%arg4 : memref<98x128xf32, #tpu.memory_space<vmem>>)
    %get3A_107 = arith.constant 0 : index
    %get3A_108 = tpu.vector_load %arg6[%get3A_107] {strides = array<i32>} : memref<16xf32, #tpu.memory_space<vmem>>, vector<16xf32>,
    %get3A_109 = vector.shape_cast %get3A_108 : vector<16xf32> to vector<16xf32>
    %get3A_110 = arith.constant 0 : i32
    %get3A_111 = arith.index_cast %get3A_110 : i32 to index
    %get3A_112 = arith.constant 0 : index
    %get3A_113 = tpu.vector_load %arg4[%get3A_111, %get3A_112] {strides = array<i32>} : memref<98x128xf32, #tpu.memory_space<vmem>>, vector<1x16xf32>,
    %get3A_114 = vector.shape_cast %get3A_113 : vector<1x16xf32> to vector<16xf32>
    %add3A_115 = arith.addf %get3A_109, %get3A_114 : vector<16xf32>
    %swap3A_116 = arith.constant 0 : index
    %swap3A_117 = tpu.vector_load %arg6[%swap3A_116] {strides = array<i32>} : memref<16xf32, #tpu.memory_space<vmem>>, vector<16xf32>,
    %swap3A_118 = vector.shape_cast %swap3A_117 : vector<16xf32> to vector<16xf32>
    %swap3A_119 = vector.shape_cast %add3A_115 : vector<16xf32> to vector<16xf32>
    tpu.vector_store %arg6[%swap3A_116], %swap3A_119 {strides = array<i32>} : memref<16xf32, #tpu.memory_space<vmem>>, vector<16xf32>,
    %add3A_120 = arith.constant 4 : i32
    %add3A_121 = arith.addi %mul3A_2, %add3A_120 : i32
    %dma_start3A_122 = arith.constant 0 : i32
    %dma_start3A_123 = arith.constant 0 : i32
    %dma_start3A_124 = arith.constant 0 : i32
    %dma_start3A_125 = tpu.memref_slice %arg2[%dma_start3A_122, %add3A_121, %dma_start3A_123, %dma_start3A_124] : memref<1x1024x98x128xf32, #tpu.memory_space<hbm>> -> memref<1x1x98x128xf32, #tpu.memory_space<hbm>>
    %dma_start3A_126 = tpu.memref_squeeze %dma_start3A_125 : memref<1x1x98x128xf32, #tpu.memory_space<hbm>> -> memref<98x128xf32, #tpu.memory_space<hbm>>
    %dma_start3A_127 = arith.constant 0 : i32
    %dma_start3A_128 = arith.constant 0 : i32
    %dma_start3A_129 = tpu.memref_slice %arg2[%dma_start3A_122, %add3A_121, %dma_start3A_127, %dma_start3A_128] : memref<1x1024x98x128xf32, #tpu.memory_space<hbm>> -> memref<1x1x98x128xf32, #tpu.memory_space<hbm>>
    %dma_start3A_130 = tpu.memref_squeeze %dma_start3A_129 : memref<1x1x98x128xf32, #tpu.memory_space<hbm>> -> memref<98x128xf32, #tpu.memory_space<hbm>>
    tpu.enqueue_dma source(%dma_start3A_130 : memref<98x128xf32, #tpu.memory_space<hbm>>) target(%arg4 : memref<98x128xf32, #tpu.memory_space<vmem>>) target_semaphore(%arg7 : memref<!tpu.dma_semaphore, #tpu.memory_space<semaphore_mem>>)
    %add3A_131 = arith.constant 3 : i32
    %add3A_132 = arith.addi %mul3A_2, %add3A_131 : i32
    %dma_wait3A_133 = arith.constant 0 : i32
    %dma_wait3A_134 = arith.constant 0 : i32
    %dma_wait3A_135 = arith.constant 0 : i32
    %dma_wait3A_136 = tpu.memref_slice %arg2[%dma_wait3A_133, %add3A_132, %dma_wait3A_134, %dma_wait3A_135] : memref<1x1024x98x128xf32, #tpu.memory_space<hbm>> -> memref<1x1x98x128xf32, #tpu.memory_space<hbm>>
    %dma_wait3A_137 = tpu.memref_squeeze %dma_wait3A_136 : memref<1x1x98x128xf32, #tpu.memory_space<hbm>> -> memref<98x128xf32, #tpu.memory_space<hbm>>
    %dma_wait3A_138 = arith.constant 0 : i32
    %dma_wait3A_139 = arith.constant 0 : i32
    %dma_wait3A_140 = tpu.memref_slice %arg2[%dma_wait3A_133, %add3A_132, %dma_wait3A_138, %dma_wait3A_139] : memref<1x1024x98x128xf32, #tpu.memory_space<hbm>> -> memref<1x1x98x128xf32, #tpu.memory_space<hbm>>
    %dma_wait3A_141 = tpu.memref_squeeze %dma_wait3A_140 : memref<1x1x98x128xf32, #tpu.memory_space<hbm>> -> memref<98x128xf32, #tpu.memory_space<hbm>>
    tpu.wait_dma2 semaphore(%arg8 : memref<!tpu.dma_semaphore, #tpu.memory_space<semaphore_mem>>) src(%dma_wait3A_141 : memref<98x128xf32, #tpu.memory_space<hbm>>) dst(%arg5 : memref<98x128xf32, #tpu.memory_space<vmem>>)
    %get3A_142 = arith.constant 0 : index
    %get3A_143 = tpu.vector_load %arg6[%get3A_142] {strides = array<i32>} : memref<16xf32, #tpu.memory_space<vmem>>, vector<16xf32>,
    %get3A_144 = vector.shape_cast %get3A_143 : vector<16xf32> to vector<16xf32>
    %get3A_145 = arith.constant 0 : i32
    %get3A_146 = arith.index_cast %get3A_145 : i32 to index
    %get3A_147 = arith.constant 0 : index
    %get3A_148 = tpu.vector_load %arg5[%get3A_146, %get3A_147] {strides = array<i32>} : memref<98x128xf32, #tpu.memory_space<vmem>>, vector<1x16xf32>,
    %get3A_149 = vector.shape_cast %get3A_148 : vector<1x16xf32> to vector<16xf32>
    %add3A_150 = arith.addf %get3A_144, %get3A_149 : vector<16xf32>
    %swap3A_151 = arith.constant 0 : index
    %swap3A_152 = tpu.vector_load %arg6[%swap3A_151] {strides = array<i32>} : memref<16xf32, #tpu.memory_space<vmem>>, vector<16xf32>,
    %swap3A_153 = vector.shape_cast %swap3A_152 : vector<16xf32> to vector<16xf32>
    %swap3A_154 = vector.shape_cast %add3A_150 : vector<16xf32> to vector<16xf32>
    tpu.vector_store %arg6[%swap3A_151], %swap3A_154 {strides = array<i32>} : memref<16xf32, #tpu.memory_space<vmem>>, vector<16xf32>,
    %add3A_155 = arith.constant 5 : i32
    %add3A_156 = arith.addi %mul3A_2, %add3A_155 : i32
    %dma_start3A_157 = arith.constant 0 : i32
    %dma_start3A_158 = arith.constant 0 : i32
    %dma_start3A_159 = arith.constant 0 : i32
    %dma_start3A_160 = tpu.memref_slice %arg2[%dma_start3A_157, %add3A_156, %dma_start3A_158, %dma_start3A_159] : memref<1x1024x98x128xf32, #tpu.memory_space<hbm>> -> memref<1x1x98x128xf32, #tpu.memory_space<hbm>>
    %dma_start3A_161 = tpu.memref_squeeze %dma_start3A_160 : memref<1x1x98x128xf32, #tpu.memory_space<hbm>> -> memref<98x128xf32, #tpu.memory_space<hbm>>
    %dma_start3A_162 = arith.constant 0 : i32
    %dma_start3A_163 = arith.constant 0 : i32
    %dma_start3A_164 = tpu.memref_slice %arg2[%dma_start3A_157, %add3A_156, %dma_start3A_162, %dma_start3A_163] : memref<1x1024x98x128xf32, #tpu.memory_space<hbm>> -> memref<1x1x98x128xf32, #tpu.memory_space<hbm>>
    %dma_start3A_165 = tpu.memref_squeeze %dma_start3A_164 : memref<1x1x98x128xf32, #tpu.memory_space<hbm>> -> memref<98x128xf32, #tpu.memory_space<hbm>>
    tpu.enqueue_dma source(%dma_start3A_165 : memref<98x128xf32, #tpu.memory_space<hbm>>) target(%arg5 : memref<98x128xf32, #tpu.memory_space<vmem>>) target_semaphore(%arg8 : memref<!tpu.dma_semaphore, #tpu.memory_space<semaphore_mem>>)
    %add3A_166 = arith.constant 4 : i32
    %add3A_167 = arith.addi %mul3A_2, %add3A_166 : i32
    %dma_wait3A_168 = arith.constant 0 : i32
    %dma_wait3A_169 = arith.constant 0 : i32
    %dma_wait3A_170 = arith.constant 0 : i32
    %dma_wait3A_171 = tpu.memref_slice %arg2[%dma_wait3A_168, %add3A_167, %dma_wait3A_169, %dma_wait3A_170] : memref<1x1024x98x128xf32, #tpu.memory_space<hbm>> -> memref<1x1x98x128xf32, #tpu.memory_space<hbm>>
    %dma_wait3A_172 = tpu.memref_squeeze %dma_wait3A_171 : memref<1x1x98x128xf32, #tpu.memory_space<hbm>> -> memref<98x128xf32, #tpu.memory_space<hbm>>
    %dma_wait3A_173 = arith.constant 0 : i32
    %dma_wait3A_174 = arith.constant 0 : i32
    %dma_wait3A_175 = tpu.memref_slice %arg2[%dma_wait3A_168, %add3A_167, %dma_wait3A_173, %dma_wait3A_174] : memref<1x1024x98x128xf32, #tpu.memory_space<hbm>> -> memref<1x1x98x128xf32, #tpu.memory_space<hbm>>
    %dma_wait3A_176 = tpu.memref_squeeze %dma_wait3A_175 : memref<1x1x98x128xf32, #tpu.memory_space<hbm>> -> memref<98x128xf32, #tpu.memory_space<hbm>>
    tpu.wait_dma2 semaphore(%arg7 : memref<!tpu.dma_semaphore, #tpu.memory_space<semaphore_mem>>) src(%dma_wait3A_176 : memref<98x128xf32, #tpu.memory_space<hbm>>) dst(%arg4 : memref<98x128xf32, #tpu.memory_space<vmem>>)
    %get3A_177 = arith.constant 0 : index
    %get3A_178 = tpu.vector_load %arg6[%get3A_177] {strides = array<i32>} : memref<16xf32, #tpu.memory_space<vmem>>, vector<16xf32>,
    %get3A_179 = vector.shape_cast %get3A_178 : vector<16xf32> to vector<16xf32>
    %get3A_180 = arith.constant 0 : i32
    %get3A_181 = arith.index_cast %get3A_180 : i32 to index
    %get3A_182 = arith.constant 0 : index
    %get3A_183 = tpu.vector_load %arg4[%get3A_181, %get3A_182] {strides = array<i32>} : memref<98x128xf32, #tpu.memory_space<vmem>>, vector<1x16xf32>,
    %get3A_184 = vector.shape_cast %get3A_183 : vector<1x16xf32> to vector<16xf32>
    %add3A_185 = arith.addf %get3A_179, %get3A_184 : vector<16xf32>
    %swap3A_186 = arith.constant 0 : index
    %swap3A_187 = tpu.vector_load %arg6[%swap3A_186] {strides = array<i32>} : memref<16xf32, #tpu.memory_space<vmem>>, vector<16xf32>,
    %swap3A_188 = vector.shape_cast %swap3A_187 : vector<16xf32> to vector<16xf32>
    %swap3A_189 = vector.shape_cast %add3A_185 : vector<16xf32> to vector<16xf32>
    tpu.vector_store %arg6[%swap3A_186], %swap3A_189 {strides = array<i32>} : memref<16xf32, #tpu.memory_space<vmem>>, vector<16xf32>,
    %add3A_190 = arith.constant 6 : i32
    %add3A_191 = arith.addi %mul3A_2, %add3A_190 : i32
    %dma_start3A_192 = arith.constant 0 : i32
    %dma_start3A_193 = arith.constant 0 : i32
    %dma_start3A_194 = arith.constant 0 : i32
    %dma_start3A_195 = tpu.memref_slice %arg2[%dma_start3A_192, %add3A_191, %dma_start3A_193, %dma_start3A_194] : memref<1x1024x98x128xf32, #tpu.memory_space<hbm>> -> memref<1x1x98x128xf32, #tpu.memory_space<hbm>>
    %dma_start3A_196 = tpu.memref_squeeze %dma_start3A_195 : memref<1x1x98x128xf32, #tpu.memory_space<hbm>> -> memref<98x128xf32, #tpu.memory_space<hbm>>
    %dma_start3A_197 = arith.constant 0 : i32
    %dma_start3A_198 = arith.constant 0 : i32
    %dma_start3A_199 = tpu.memref_slice %arg2[%dma_start3A_192, %add3A_191, %dma_start3A_197, %dma_start3A_198] : memref<1x1024x98x128xf32, #tpu.memory_space<hbm>> -> memref<1x1x98x128xf32, #tpu.memory_space<hbm>>
    %dma_start3A_200 = tpu.memref_squeeze %dma_start3A_199 : memref<1x1x98x128xf32, #tpu.memory_space<hbm>> -> memref<98x128xf32, #tpu.memory_space<hbm>>
    tpu.enqueue_dma source(%dma_start3A_200 : memref<98x128xf32, #tpu.memory_space<hbm>>) target(%arg4 : memref<98x128xf32, #tpu.memory_space<vmem>>) target_semaphore(%arg7 : memref<!tpu.dma_semaphore, #tpu.memory_space<semaphore_mem>>)
    %add3A_201 = arith.constant 5 : i32
    %add3A_202 = arith.addi %mul3A_2, %add3A_201 : i32
    %dma_wait3A_203 = arith.constant 0 : i32
    %dma_wait3A_204 = arith.constant 0 : i32
    %dma_wait3A_205 = arith.constant 0 : i32
    %dma_wait3A_206 = tpu.memref_slice %arg2[%dma_wait3A_203, %add3A_202, %dma_wait3A_204, %dma_wait3A_205] : memref<1x1024x98x128xf32, #tpu.memory_space<hbm>> -> memref<1x1x98x128xf32, #tpu.memory_space<hbm>>
    %dma_wait3A_207 = tpu.memref_squeeze %dma_wait3A_206 : memref<1x1x98x128xf32, #tpu.memory_space<hbm>> -> memref<98x128xf32, #tpu.memory_space<hbm>>
    %dma_wait3A_208 = arith.constant 0 : i32
    %dma_wait3A_209 = arith.constant 0 : i32
    %dma_wait3A_210 = tpu.memref_slice %arg2[%dma_wait3A_203, %add3A_202, %dma_wait3A_208, %dma_wait3A_209] : memref<1x1024x98x128xf32, #tpu.memory_space<hbm>> -> memref<1x1x98x128xf32, #tpu.memory_space<hbm>>
    %dma_wait3A_211 = tpu.memref_squeeze %dma_wait3A_210 : memref<1x1x98x128xf32, #tpu.memory_space<hbm>> -> memref<98x128xf32, #tpu.memory_space<hbm>>
    tpu.wait_dma2 semaphore(%arg8 : memref<!tpu.dma_semaphore, #tpu.memory_space<semaphore_mem>>) src(%dma_wait3A_211 : memref<98x128xf32, #tpu.memory_space<hbm>>) dst(%arg5 : memref<98x128xf32, #tpu.memory_space<vmem>>)
    %get3A_212 = arith.constant 0 : index
    %get3A_213 = tpu.vector_load %arg6[%get3A_212] {strides = array<i32>} : memref<16xf32, #tpu.memory_space<vmem>>, vector<16xf32>,
    %get3A_214 = vector.shape_cast %get3A_213 : vector<16xf32> to vector<16xf32>
    %get3A_215 = arith.constant 0 : i32
    %get3A_216 = arith.index_cast %get3A_215 : i32 to index
    %get3A_217 = arith.constant 0 : index
    %get3A_218 = tpu.vector_load %arg5[%get3A_216, %get3A_217] {strides = array<i32>} : memref<98x128xf32, #tpu.memory_space<vmem>>, vector<1x16xf32>,
    %get3A_219 = vector.shape_cast %get3A_218 : vector<1x16xf32> to vector<16xf32>
    %add3A_220 = arith.addf %get3A_214, %get3A_219 : vector<16xf32>
    %swap3A_221 = arith.constant 0 : index
    %swap3A_222 = tpu.vector_load %arg6[%swap3A_221] {strides = array<i32>} : memref<16xf32, #tpu.memory_space<vmem>>, vector<16xf32>,
    %swap3A_223 = vector.shape_cast %swap3A_222 : vector<16xf32> to vector<16xf32>
    %swap3A_224 = vector.shape_cast %add3A_220 : vector<16xf32> to vector<16xf32>
    tpu.vector_store %arg6[%swap3A_221], %swap3A_224 {strides = array<i32>} : memref<16xf32, #tpu.memory_space<vmem>>, vector<16xf32>,
    %add3A_225 = arith.constant 7 : i32
    %add3A_226 = arith.addi %mul3A_2, %add3A_225 : i32
    %dma_start3A_227 = arith.constant 0 : i32
    %dma_start3A_228 = arith.constant 0 : i32
    %dma_start3A_229 = arith.constant 0 : i32
    %dma_start3A_230 = tpu.memref_slice %arg2[%dma_start3A_227, %add3A_226, %dma_start3A_228, %dma_start3A_229] : memref<1x1024x98x128xf32, #tpu.memory_space<hbm>> -> memref<1x1x98x128xf32, #tpu.memory_space<hbm>>
    %dma_start3A_231 = tpu.memref_squeeze %dma_start3A_230 : memref<1x1x98x128xf32, #tpu.memory_space<hbm>> -> memref<98x128xf32, #tpu.memory_space<hbm>>
    %dma_start3A_232 = arith.constant 0 : i32
    %dma_start3A_233 = arith.constant 0 : i32
    %dma_start3A_234 = tpu.memref_slice %arg2[%dma_start3A_227, %add3A_226, %dma_start3A_232, %dma_start3A_233] : memref<1x1024x98x128xf32, #tpu.memory_space<hbm>> -> memref<1x1x98x128xf32, #tpu.memory_space<hbm>>
    %dma_start3A_235 = tpu.memref_squeeze %dma_start3A_234 : memref<1x1x98x128xf32, #tpu.memory_space<hbm>> -> memref<98x128xf32, #tpu.memory_space<hbm>>
    tpu.enqueue_dma source(%dma_start3A_235 : memref<98x128xf32, #tpu.memory_space<hbm>>) target(%arg5 : memref<98x128xf32, #tpu.memory_space<vmem>>) target_semaphore(%arg8 : memref<!tpu.dma_semaphore, #tpu.memory_space<semaphore_mem>>)
    %add3A_236 = arith.constant 6 : i32
    %add3A_237 = arith.addi %mul3A_2, %add3A_236 : i32
    %dma_wait3A_238 = arith.constant 0 : i32
    %dma_wait3A_239 = arith.constant 0 : i32
    %dma_wait3A_240 = arith.constant 0 : i32
    %dma_wait3A_241 = tpu.memref_slice %arg2[%dma_wait3A_238, %add3A_237, %dma_wait3A_239, %dma_wait3A_240] : memref<1x1024x98x128xf32, #tpu.memory_space<hbm>> -> memref<1x1x98x128xf32, #tpu.memory_space<hbm>>
    %dma_wait3A_242 = tpu.memref_squeeze %dma_wait3A_241 : memref<1x1x98x128xf32, #tpu.memory_space<hbm>> -> memref<98x128xf32, #tpu.memory_space<hbm>>
    %dma_wait3A_243 = arith.constant 0 : i32
    %dma_wait3A_244 = arith.constant 0 : i32
    %dma_wait3A_245 = tpu.memref_slice %arg2[%dma_wait3A_238, %add3A_237, %dma_wait3A_243, %dma_wait3A_244] : memref<1x1024x98x128xf32, #tpu.memory_space<hbm>> -> memref<1x1x98x128xf32, #tpu.memory_space<hbm>>
    %dma_wait3A_246 = tpu.memref_squeeze %dma_wait3A_245 : memref<1x1x98x128xf32, #tpu.memory_space<hbm>> -> memref<98x128xf32, #tpu.memory_space<hbm>>
    tpu.wait_dma2 semaphore(%arg7 : memref<!tpu.dma_semaphore, #tpu.memory_space<semaphore_mem>>) src(%dma_wait3A_246 : memref<98x128xf32, #tpu.memory_space<hbm>>) dst(%arg4 : memref<98x128xf32, #tpu.memory_space<vmem>>)
    %get3A_247 = arith.constant 0 : index
    %get3A_248 = tpu.vector_load %arg6[%get3A_247] {strides = array<i32>} : memref<16xf32, #tpu.memory_space<vmem>>, vector<16xf32>,
    %get3A_249 = vector.shape_cast %get3A_248 : vector<16xf32> to vector<16xf32>
    %get3A_250 = arith.constant 0 : i32
    %get3A_251 = arith.index_cast %get3A_250 : i32 to index
    %get3A_252 = arith.constant 0 : index
    %get3A_253 = tpu.vector_load %arg4[%get3A_251, %get3A_252] {strides = array<i32>} : memref<98x128xf32, #tpu.memory_space<vmem>>, vector<1x16xf32>,
    %get3A_254 = vector.shape_cast %get3A_253 : vector<1x16xf32> to vector<16xf32>
    %add3A_255 = arith.addf %get3A_249, %get3A_254 : vector<16xf32>
    %swap3A_256 = arith.constant 0 : index
    %swap3A_257 = tpu.vector_load %arg6[%swap3A_256] {strides = array<i32>} : memref<16xf32, #tpu.memory_space<vmem>>, vector<16xf32>,
    %swap3A_258 = vector.shape_cast %swap3A_257 : vector<16xf32> to vector<16xf32>
    %swap3A_259 = vector.shape_cast %add3A_255 : vector<16xf32> to vector<16xf32>
    tpu.vector_store %arg6[%swap3A_256], %swap3A_259 {strides = array<i32>} : memref<16xf32, #tpu.memory_space<vmem>>, vector<16xf32>,
    %add3A_260 = arith.constant 8 : i32
    %add3A_261 = arith.addi %mul3A_2, %add3A_260 : i32
    %dma_start3A_262 = arith.constant 0 : i32
    %dma_start3A_263 = arith.constant 0 : i32
    %dma_start3A_264 = arith.constant 0 : i32
    %dma_start3A_265 = tpu.memref_slice %arg2[%dma_start3A_262, %add3A_261, %dma_start3A_263, %dma_start3A_264] : memref<1x1024x98x128xf32, #tpu.memory_space<hbm>> -> memref<1x1x98x128xf32, #tpu.memory_space<hbm>>
    %dma_start3A_266 = tpu.memref_squeeze %dma_start3A_265 : memref<1x1x98x128xf32, #tpu.memory_space<hbm>> -> memref<98x128xf32, #tpu.memory_space<hbm>>
    %dma_start3A_267 = arith.constant 0 : i32
    %dma_start3A_268 = arith.constant 0 : i32
    %dma_start3A_269 = tpu.memref_slice %arg2[%dma_start3A_262, %add3A_261, %dma_start3A_267, %dma_start3A_268] : memref<1x1024x98x128xf32, #tpu.memory_space<hbm>> -> memref<1x1x98x128xf32, #tpu.memory_space<hbm>>
    %dma_start3A_270 = tpu.memref_squeeze %dma_start3A_269 : memref<1x1x98x128xf32, #tpu.memory_space<hbm>> -> memref<98x128xf32, #tpu.memory_space<hbm>>
    tpu.enqueue_dma source(%dma_start3A_270 : memref<98x128xf32, #tpu.memory_space<hbm>>) target(%arg4 : memref<98x128xf32, #tpu.memory_space<vmem>>) target_semaphore(%arg7 : memref<!tpu.dma_semaphore, #tpu.memory_space<semaphore_mem>>)
    %add3A_271 = arith.constant 7 : i32
    %add3A_272 = arith.addi %mul3A_2, %add3A_271 : i32
    %dma_wait3A_273 = arith.constant 0 : i32
    %dma_wait3A_274 = arith.constant 0 : i32
    %dma_wait3A_275 = arith.constant 0 : i32
    %dma_wait3A_276 = tpu.memref_slice %arg2[%dma_wait3A_273, %add3A_272, %dma_wait3A_274, %dma_wait3A_275] : memref<1x1024x98x128xf32, #tpu.memory_space<hbm>> -> memref<1x1x98x128xf32, #tpu.memory_space<hbm>>
    %dma_wait3A_277 = tpu.memref_squeeze %dma_wait3A_276 : memref<1x1x98x128xf32, #tpu.memory_space<hbm>> -> memref<98x128xf32, #tpu.memory_space<hbm>>
    %dma_wait3A_278 = arith.constant 0 : i32
    %dma_wait3A_279 = arith.constant 0 : i32
    %dma_wait3A_280 = tpu.memref_slice %arg2[%dma_wait3A_273, %add3A_272, %dma_wait3A_278, %dma_wait3A_279] : memref<1x1024x98x128xf32, #tpu.memory_space<hbm>> -> memref<1x1x98x128xf32, #tpu.memory_space<hbm>>
    %dma_wait3A_281 = tpu.memref_squeeze %dma_wait3A_280 : memref<1x1x98x128xf32, #tpu.memory_space<hbm>> -> memref<98x128xf32, #tpu.memory_space<hbm>>
    tpu.wait_dma2 semaphore(%arg8 : memref<!tpu.dma_semaphore, #tpu.memory_space<semaphore_mem>>) src(%dma_wait3A_281 : memref<98x128xf32, #tpu.memory_space<hbm>>) dst(%arg5 : memref<98x128xf32, #tpu.memory_space<vmem>>)
    %get3A_282 = arith.constant 0 : index
    %get3A_283 = tpu.vector_load %arg6[%get3A_282] {strides = array<i32>} : memref<16xf32, #tpu.memory_space<vmem>>, vector<16xf32>,
    %get3A_284 = vector.shape_cast %get3A_283 : vector<16xf32> to vector<16xf32>
    %get3A_285 = arith.constant 0 : i32
    %get3A_286 = arith.index_cast %get3A_285 : i32 to index
    %get3A_287 = arith.constant 0 : index
    %get3A_288 = tpu.vector_load %arg5[%get3A_286, %get3A_287] {strides = array<i32>} : memref<98x128xf32, #tpu.memory_space<vmem>>, vector<1x16xf32>,
    %get3A_289 = vector.shape_cast %get3A_288 : vector<1x16xf32> to vector<16xf32>
    %add3A_290 = arith.addf %get3A_284, %get3A_289 : vector<16xf32>
    %swap3A_291 = arith.constant 0 : index
    %swap3A_292 = tpu.vector_load %arg6[%swap3A_291] {strides = array<i32>} : memref<16xf32, #tpu.memory_space<vmem>>, vector<16xf32>,
    %swap3A_293 = vector.shape_cast %swap3A_292 : vector<16xf32> to vector<16xf32>
    %swap3A_294 = vector.shape_cast %add3A_290 : vector<16xf32> to vector<16xf32>
    tpu.vector_store %arg6[%swap3A_291], %swap3A_294 {strides = array<i32>} : memref<16xf32, #tpu.memory_space<vmem>>, vector<16xf32>,
    %add3A_295 = arith.constant 9 : i32
    %add3A_296 = arith.addi %mul3A_2, %add3A_295 : i32
    %dma_start3A_297 = arith.constant 0 : i32
    %dma_start3A_298 = arith.constant 0 : i32
    %dma_start3A_299 = arith.constant 0 : i32
    %dma_start3A_300 = tpu.memref_slice %arg2[%dma_start3A_297, %add3A_296, %dma_start3A_298, %dma_start3A_299] : memref<1x1024x98x128xf32, #tpu.memory_space<hbm>> -> memref<1x1x98x128xf32, #tpu.memory_space<hbm>>
    %dma_start3A_301 = tpu.memref_squeeze %dma_start3A_300 : memref<1x1x98x128xf32, #tpu.memory_space<hbm>> -> memref<98x128xf32, #tpu.memory_space<hbm>>
    %dma_start3A_302 = arith.constant 0 : i32
    %dma_start3A_303 = arith.constant 0 : i32
    %dma_start3A_304 = tpu.memref_slice %arg2[%dma_start3A_297, %add3A_296, %dma_start3A_302, %dma_start3A_303] : memref<1x1024x98x128xf32, #tpu.memory_space<hbm>> -> memref<1x1x98x128xf32, #tpu.memory_space<hbm>>
    %dma_start3A_305 = tpu.memref_squeeze %dma_start3A_304 : memref<1x1x98x128xf32, #tpu.memory_space<hbm>> -> memref<98x128xf32, #tpu.memory_space<hbm>>
    tpu.enqueue_dma source(%dma_start3A_305 : memref<98x128xf32, #tpu.memory_space<hbm>>) target(%arg5 : memref<98x128xf32, #tpu.memory_space<vmem>>) target_semaphore(%arg8 : memref<!tpu.dma_semaphore, #tpu.memory_space<semaphore_mem>>)
    %add3A_306 = arith.constant 8 : i32
    %add3A_307 = arith.addi %mul3A_2, %add3A_306 : i32
    %dma_wait3A_308 = arith.constant 0 : i32
    %dma_wait3A_309 = arith.constant 0 : i32
    %dma_wait3A_310 = arith.constant 0 : i32
    %dma_wait3A_311 = tpu.memref_slice %arg2[%dma_wait3A_308, %add3A_307, %dma_wait3A_309, %dma_wait3A_310] : memref<1x1024x98x128xf32, #tpu.memory_space<hbm>> -> memref<1x1x98x128xf32, #tpu.memory_space<hbm>>
    %dma_wait3A_312 = tpu.memref_squeeze %dma_wait3A_311 : memref<1x1x98x128xf32, #tpu.memory_space<hbm>> -> memref<98x128xf32, #tpu.memory_space<hbm>>
    %dma_wait3A_313 = arith.constant 0 : i32
    %dma_wait3A_314 = arith.constant 0 : i32
    %dma_wait3A_315 = tpu.memref_slice %arg2[%dma_wait3A_308, %add3A_307, %dma_wait3A_313, %dma_wait3A_314] : memref<1x1024x98x128xf32, #tpu.memory_space<hbm>> -> memref<1x1x98x128xf32, #tpu.memory_space<hbm>>
    %dma_wait3A_316 = tpu.memref_squeeze %dma_wait3A_315 : memref<1x1x98x128xf32, #tpu.memory_space<hbm>> -> memref<98x128xf32, #tpu.memory_space<hbm>>
    tpu.wait_dma2 semaphore(%arg7 : memref<!tpu.dma_semaphore, #tpu.memory_space<semaphore_mem>>) src(%dma_wait3A_316 : memref<98x128xf32, #tpu.memory_space<hbm>>) dst(%arg4 : memref<98x128xf32, #tpu.memory_space<vmem>>)
    %get3A_317 = arith.constant 0 : index
    %get3A_318 = tpu.vector_load %arg6[%get3A_317] {strides = array<i32>} : memref<16xf32, #tpu.memory_space<vmem>>, vector<16xf32>,
    %get3A_319 = vector.shape_cast %get3A_318 : vector<16xf32> to vector<16xf32>
    %get3A_320 = arith.constant 0 : i32
    %get3A_321 = arith.index_cast %get3A_320 : i32 to index
    %get3A_322 = arith.constant 0 : index
    %get3A_323 = tpu.vector_load %arg4[%get3A_321, %get3A_322] {strides = array<i32>} : memref<98x128xf32, #tpu.memory_space<vmem>>, vector<1x16xf32>,
    %get3A_324 = vector.shape_cast %get3A_323 : vector<1x16xf32> to vector<16xf32>
    %add3A_325 = arith.addf %get3A_319, %get3A_324 : vector<16xf32>
    %swap3A_326 = arith.constant 0 : index
    %swap3A_327 = tpu.vector_load %arg6[%swap3A_326] {strides = array<i32>} : memref<16xf32, #tpu.memory_space<vmem>>, vector<16xf32>,
    %swap3A_328 = vector.shape_cast %swap3A_327 : vector<16xf32> to vector<16xf32>
    %swap3A_329 = vector.shape_cast %add3A_325 : vector<16xf32> to vector<16xf32>
    tpu.vector_store %arg6[%swap3A_326], %swap3A_329 {strides = array<i32>} : memref<16xf32, #tpu.memory_space<vmem>>, vector<16xf32>,
    %add3A_330 = arith.constant 10 : i32
    %add3A_331 = arith.addi %mul3A_2, %add3A_330 : i32
    %dma_start3A_332 = arith.constant 0 : i32
    %dma_start3A_333 = arith.constant 0 : i32
    %dma_start3A_334 = arith.constant 0 : i32
    %dma_start3A_335 = tpu.memref_slice %arg2[%dma_start3A_332, %add3A_331, %dma_start3A_333, %dma_start3A_334] : memref<1x1024x98x128xf32, #tpu.memory_space<hbm>> -> memref<1x1x98x128xf32, #tpu.memory_space<hbm>>
    %dma_start3A_336 = tpu.memref_squeeze %dma_start3A_335 : memref<1x1x98x128xf32, #tpu.memory_space<hbm>> -> memref<98x128xf32, #tpu.memory_space<hbm>>
    %dma_start3A_337 = arith.constant 0 : i32
    %dma_start3A_338 = arith.constant 0 : i32
    %dma_start3A_339 = tpu.memref_slice %arg2[%dma_start3A_332, %add3A_331, %dma_start3A_337, %dma_start3A_338] : memref<1x1024x98x128xf32, #tpu.memory_space<hbm>> -> memref<1x1x98x128xf32, #tpu.memory_space<hbm>>
    %dma_start3A_340 = tpu.memref_squeeze %dma_start3A_339 : memref<1x1x98x128xf32, #tpu.memory_space<hbm>> -> memref<98x128xf32, #tpu.memory_space<hbm>>
    tpu.enqueue_dma source(%dma_start3A_340 : memref<98x128xf32, #tpu.memory_space<hbm>>) target(%arg4 : memref<98x128xf32, #tpu.memory_space<vmem>>) target_semaphore(%arg7 : memref<!tpu.dma_semaphore, #tpu.memory_space<semaphore_mem>>)
    %add3A_341 = arith.constant 9 : i32
    %add3A_342 = arith.addi %mul3A_2, %add3A_341 : i32
    %dma_wait3A_343 = arith.constant 0 : i32
    %dma_wait3A_344 = arith.constant 0 : i32
    %dma_wait3A_345 = arith.constant 0 : i32
    %dma_wait3A_346 = tpu.memref_slice %arg2[%dma_wait3A_343, %add3A_342, %dma_wait3A_344, %dma_wait3A_345] : memref<1x1024x98x128xf32, #tpu.memory_space<hbm>> -> memref<1x1x98x128xf32, #tpu.memory_space<hbm>>
    %dma_wait3A_347 = tpu.memref_squeeze %dma_wait3A_346 : memref<1x1x98x128xf32, #tpu.memory_space<hbm>> -> memref<98x128xf32, #tpu.memory_space<hbm>>
    %dma_wait3A_348 = arith.constant 0 : i32
    %dma_wait3A_349 = arith.constant 0 : i32
    %dma_wait3A_350 = tpu.memref_slice %arg2[%dma_wait3A_343, %add3A_342, %dma_wait3A_348, %dma_wait3A_349] : memref<1x1024x98x128xf32, #tpu.memory_space<hbm>> -> memref<1x1x98x128xf32, #tpu.memory_space<hbm>>
    %dma_wait3A_351 = tpu.memref_squeeze %dma_wait3A_350 : memref<1x1x98x128xf32, #tpu.memory_space<hbm>> -> memref<98x128xf32, #tpu.memory_space<hbm>>
    tpu.wait_dma2 semaphore(%arg8 : memref<!tpu.dma_semaphore, #tpu.memory_space<semaphore_mem>>) src(%dma_wait3A_351 : memref<98x128xf32, #tpu.memory_space<hbm>>) dst(%arg5 : memref<98x128xf32, #tpu.memory_space<vmem>>)
    %get3A_352 = arith.constant 0 : index
    %get3A_353 = tpu.vector_load %arg6[%get3A_352] {strides = array<i32>} : memref<16xf32, #tpu.memory_space<vmem>>, vector<16xf32>,
    %get3A_354 = vector.shape_cast %get3A_353 : vector<16xf32> to vector<16xf32>
    %get3A_355 = arith.constant 0 : i32
    %get3A_356 = arith.index_cast %get3A_355 : i32 to index
    %get3A_357 = arith.constant 0 : index
    %get3A_358 = tpu.vector_load %arg5[%get3A_356, %get3A_357] {strides = array<i32>} : memref<98x128xf32, #tpu.memory_space<vmem>>, vector<1x16xf32>,
    %get3A_359 = vector.shape_cast %get3A_358 : vector<1x16xf32> to vector<16xf32>
    %add3A_360 = arith.addf %get3A_354, %get3A_359 : vector<16xf32>
    %swap3A_361 = arith.constant 0 : index
    %swap3A_362 = tpu.vector_load %arg6[%swap3A_361] {strides = array<i32>} : memref<16xf32, #tpu.memory_space<vmem>>, vector<16xf32>,
    %swap3A_363 = vector.shape_cast %swap3A_362 : vector<16xf32> to vector<16xf32>
    %swap3A_364 = vector.shape_cast %add3A_360 : vector<16xf32> to vector<16xf32>
    tpu.vector_store %arg6[%swap3A_361], %swap3A_364 {strides = array<i32>} : memref<16xf32, #tpu.memory_space<vmem>>, vector<16xf32>,
    %add3A_365 = arith.constant 11 : i32
    %add3A_366 = arith.addi %mul3A_2, %add3A_365 : i32
    %dma_start3A_367 = arith.constant 0 : i32
    %dma_start3A_368 = arith.constant 0 : i32
    %dma_start3A_369 = arith.constant 0 : i32
    %dma_start3A_370 = tpu.memref_slice %arg2[%dma_start3A_367, %add3A_366, %dma_start3A_368, %dma_start3A_369] : memref<1x1024x98x128xf32, #tpu.memory_space<hbm>> -> memref<1x1x98x128xf32, #tpu.memory_space<hbm>>
    %dma_start3A_371 = tpu.memref_squeeze %dma_start3A_370 : memref<1x1x98x128xf32, #tpu.memory_space<hbm>> -> memref<98x128xf32, #tpu.memory_space<hbm>>
    %dma_start3A_372 = arith.constant 0 : i32
    %dma_start3A_373 = arith.constant 0 : i32
    %dma_start3A_374 = tpu.memref_slice %arg2[%dma_start3A_367, %add3A_366, %dma_start3A_372, %dma_start3A_373] : memref<1x1024x98x128xf32, #tpu.memory_space<hbm>> -> memref<1x1x98x128xf32, #tpu.memory_space<hbm>>
    %dma_start3A_375 = tpu.memref_squeeze %dma_start3A_374 : memref<1x1x98x128xf32, #tpu.memory_space<hbm>> -> memref<98x128xf32, #tpu.memory_space<hbm>>
    tpu.enqueue_dma source(%dma_start3A_375 : memref<98x128xf32, #tpu.memory_space<hbm>>) target(%arg5 : memref<98x128xf32, #tpu.memory_space<vmem>>) target_semaphore(%arg8 : memref<!tpu.dma_semaphore, #tpu.memory_space<semaphore_mem>>)
    %add3A_376 = arith.constant 10 : i32
    %add3A_377 = arith.addi %mul3A_2, %add3A_376 : i32
    %dma_wait3A_378 = arith.constant 0 : i32
    %dma_wait3A_379 = arith.constant 0 : i32
    %dma_wait3A_380 = arith.constant 0 : i32
    %dma_wait3A_381 = tpu.memref_slice %arg2[%dma_wait3A_378, %add3A_377, %dma_wait3A_379, %dma_wait3A_380] : memref<1x1024x98x128xf32, #tpu.memory_space<hbm>> -> memref<1x1x98x128xf32, #tpu.memory_space<hbm>>
    %dma_wait3A_382 = tpu.memref_squeeze %dma_wait3A_381 : memref<1x1x98x128xf32, #tpu.memory_space<hbm>> -> memref<98x128xf32, #tpu.memory_space<hbm>>
    %dma_wait3A_383 = arith.constant 0 : i32
    %dma_wait3A_384 = arith.constant 0 : i32
    %dma_wait3A_385 = tpu.memref_slice %arg2[%dma_wait3A_378, %add3A_377, %dma_wait3A_383, %dma_wait3A_384] : memref<1x1024x98x128xf32, #tpu.memory_space<hbm>> -> memref<1x1x98x128xf32, #tpu.memory_space<hbm>>
    %dma_wait3A_386 = tpu.memref_squeeze %dma_wait3A_385 : memref<1x1x98x128xf32, #tpu.memory_space<hbm>> -> memref<98x128xf32, #tpu.memory_space<hbm>>
    tpu.wait_dma2 semaphore(%arg7 : memref<!tpu.dma_semaphore, #tpu.memory_space<semaphore_mem>>) src(%dma_wait3A_386 : memref<98x128xf32, #tpu.memory_space<hbm>>) dst(%arg4 : memref<98x128xf32, #tpu.memory_space<vmem>>)
    %get3A_387 = arith.constant 0 : index
    %get3A_388 = tpu.vector_load %arg6[%get3A_387] {strides = array<i32>} : memref<16xf32, #tpu.memory_space<vmem>>, vector<16xf32>,
    %get3A_389 = vector.shape_cast %get3A_388 : vector<16xf32> to vector<16xf32>
    %get3A_390 = arith.constant 0 : i32
    %get3A_391 = arith.index_cast %get3A_390 : i32 to index
    %get3A_392 = arith.constant 0 : index
    %get3A_393 = tpu.vector_load %arg4[%get3A_391, %get3A_392] {strides = array<i32>} : memref<98x128xf32, #tpu.memory_space<vmem>>, vector<1x16xf32>,
    %get3A_394 = vector.shape_cast %get3A_393 : vector<1x16xf32> to vector<16xf32>
    %add3A_395 = arith.addf %get3A_389, %get3A_394 : vector<16xf32>
    %swap3A_396 = arith.constant 0 : index
    %swap3A_397 = tpu.vector_load %arg6[%swap3A_396] {strides = array<i32>} : memref<16xf32, #tpu.memory_space<vmem>>, vector<16xf32>,
    %swap3A_398 = vector.shape_cast %swap3A_397 : vector<16xf32> to vector<16xf32>
    %swap3A_399 = vector.shape_cast %add3A_395 : vector<16xf32> to vector<16xf32>
    tpu.vector_store %arg6[%swap3A_396], %swap3A_399 {strides = array<i32>} : memref<16xf32, #tpu.memory_space<vmem>>, vector<16xf32>,
    %add3A_400 = arith.constant 12 : i32
    %add3A_401 = arith.addi %mul3A_2, %add3A_400 : i32
    %dma_start3A_402 = arith.constant 0 : i32
    %dma_start3A_403 = arith.constant 0 : i32
    %dma_start3A_404 = arith.constant 0 : i32
    %dma_start3A_405 = tpu.memref_slice %arg2[%dma_start3A_402, %add3A_401, %dma_start3A_403, %dma_start3A_404] : memref<1x1024x98x128xf32, #tpu.memory_space<hbm>> -> memref<1x1x98x128xf32, #tpu.memory_space<hbm>>
    %dma_start3A_406 = tpu.memref_squeeze %dma_start3A_405 : memref<1x1x98x128xf32, #tpu.memory_space<hbm>> -> memref<98x128xf32, #tpu.memory_space<hbm>>
    %dma_start3A_407 = arith.constant 0 : i32
    %dma_start3A_408 = arith.constant 0 : i32
    %dma_start3A_409 = tpu.memref_slice %arg2[%dma_start3A_402, %add3A_401, %dma_start3A_407, %dma_start3A_408] : memref<1x1024x98x128xf32, #tpu.memory_space<hbm>> -> memref<1x1x98x128xf32, #tpu.memory_space<hbm>>
    %dma_start3A_410 = tpu.memref_squeeze %dma_start3A_409 : memref<1x1x98x128xf32, #tpu.memory_space<hbm>> -> memref<98x128xf32, #tpu.memory_space<hbm>>
    tpu.enqueue_dma source(%dma_start3A_410 : memref<98x128xf32, #tpu.memory_space<hbm>>) target(%arg4 : memref<98x128xf32, #tpu.memory_space<vmem>>) target_semaphore(%arg7 : memref<!tpu.dma_semaphore, #tpu.memory_space<semaphore_mem>>)
    %add3A_411 = arith.constant 11 : i32
    %add3A_412 = arith.addi %mul3A_2, %add3A_411 : i32
    %dma_wait3A_413 = arith.constant 0 : i32
    %dma_wait3A_414 = arith.constant 0 : i32
    %dma_wait3A_415 = arith.constant 0 : i32
    %dma_wait3A_416 = tpu.memref_slice %arg2[%dma_wait3A_413, %add3A_412, %dma_wait3A_414, %dma_wait3A_415] : memref<1x1024x98x128xf32, #tpu.memory_space<hbm>> -> memref<1x1x98x128xf32, #tpu.memory_space<hbm>>
    %dma_wait3A_417 = tpu.memref_squeeze %dma_wait3A_416 : memref<1x1x98x128xf32, #tpu.memory_space<hbm>> -> memref<98x128xf32, #tpu.memory_space<hbm>>
    %dma_wait3A_418 = arith.constant 0 : i32
    %dma_wait3A_419 = arith.constant 0 : i32
    %dma_wait3A_420 = tpu.memref_slice %arg2[%dma_wait3A_413, %add3A_412, %dma_wait3A_418, %dma_wait3A_419] : memref<1x1024x98x128xf32, #tpu.memory_space<hbm>> -> memref<1x1x98x128xf32, #tpu.memory_space<hbm>>
    %dma_wait3A_421 = tpu.memref_squeeze %dma_wait3A_420 : memref<1x1x98x128xf32, #tpu.memory_space<hbm>> -> memref<98x128xf32, #tpu.memory_space<hbm>>
    tpu.wait_dma2 semaphore(%arg8 : memref<!tpu.dma_semaphore, #tpu.memory_space<semaphore_mem>>) src(%dma_wait3A_421 : memref<98x128xf32, #tpu.memory_space<hbm>>) dst(%arg5 : memref<98x128xf32, #tpu.memory_space<vmem>>)
    %get3A_422 = arith.constant 0 : index
    %get3A_423 = tpu.vector_load %arg6[%get3A_422] {strides = array<i32>} : memref<16xf32, #tpu.memory_space<vmem>>, vector<16xf32>,
    %get3A_424 = vector.shape_cast %get3A_423 : vector<16xf32> to vector<16xf32>
    %get3A_425 = arith.constant 0 : i32
    %get3A_426 = arith.index_cast %get3A_425 : i32 to index
    %get3A_427 = arith.constant 0 : index
    %get3A_428 = tpu.vector_load %arg5[%get3A_426, %get3A_427] {strides = array<i32>} : memref<98x128xf32, #tpu.memory_space<vmem>>, vector<1x16xf32>,
    %get3A_429 = vector.shape_cast %get3A_428 : vector<1x16xf32> to vector<16xf32>
    %add3A_430 = arith.addf %get3A_424, %get3A_429 : vector<16xf32>
    %swap3A_431 = arith.constant 0 : index
    %swap3A_432 = tpu.vector_load %arg6[%swap3A_431] {strides = array<i32>} : memref<16xf32, #tpu.memory_space<vmem>>, vector<16xf32>,
    %swap3A_433 = vector.shape_cast %swap3A_432 : vector<16xf32> to vector<16xf32>
    %swap3A_434 = vector.shape_cast %add3A_430 : vector<16xf32> to vector<16xf32>
    tpu.vector_store %arg6[%swap3A_431], %swap3A_434 {strides = array<i32>} : memref<16xf32, #tpu.memory_space<vmem>>, vector<16xf32>,
    %add3A_435 = arith.constant 13 : i32
    %add3A_436 = arith.addi %mul3A_2, %add3A_435 : i32
    %dma_start3A_437 = arith.constant 0 : i32
    %dma_start3A_438 = arith.constant 0 : i32
    %dma_start3A_439 = arith.constant 0 : i32
    %dma_start3A_440 = tpu.memref_slice %arg2[%dma_start3A_437, %add3A_436, %dma_start3A_438, %dma_start3A_439] : memref<1x1024x98x128xf32, #tpu.memory_space<hbm>> -> memref<1x1x98x128xf32, #tpu.memory_space<hbm>>
    %dma_start3A_441 = tpu.memref_squeeze %dma_start3A_440 : memref<1x1x98x128xf32, #tpu.memory_space<hbm>> -> memref<98x128xf32, #tpu.memory_space<hbm>>
    %dma_start3A_442 = arith.constant 0 : i32
    %dma_start3A_443 = arith.constant 0 : i32
    %dma_start3A_444 = tpu.memref_slice %arg2[%dma_start3A_437, %add3A_436, %dma_start3A_442, %dma_start3A_443] : memref<1x1024x98x128xf32, #tpu.memory_space<hbm>> -> memref<1x1x98x128xf32, #tpu.memory_space<hbm>>
    %dma_start3A_445 = tpu.memref_squeeze %dma_start3A_444 : memref<1x1x98x128xf32, #tpu.memory_space<hbm>> -> memref<98x128xf32, #tpu.memory_space<hbm>>
    tpu.enqueue_dma source(%dma_start3A_445 : memref<98x128xf32, #tpu.memory_space<hbm>>) target(%arg5 : memref<98x128xf32, #tpu.memory_space<vmem>>) target_semaphore(%arg8 : memref<!tpu.dma_semaphore, #tpu.memory_space<semaphore_mem>>)
    %add3A_446 = arith.constant 12 : i32
    %add3A_447 = arith.addi %mul3A_2, %add3A_446 : i32
    %dma_wait3A_448 = arith.constant 0 : i32
    %dma_wait3A_449 = arith.constant 0 : i32
    %dma_wait3A_450 = arith.constant 0 : i32
    %dma_wait3A_451 = tpu.memref_slice %arg2[%dma_wait3A_448, %add3A_447, %dma_wait3A_449, %dma_wait3A_450] : memref<1x1024x98x128xf32, #tpu.memory_space<hbm>> -> memref<1x1x98x128xf32, #tpu.memory_space<hbm>>
    %dma_wait3A_452 = tpu.memref_squeeze %dma_wait3A_451 : memref<1x1x98x128xf32, #tpu.memory_space<hbm>> -> memref<98x128xf32, #tpu.memory_space<hbm>>
    %dma_wait3A_453 = arith.constant 0 : i32
    %dma_wait3A_454 = arith.constant 0 : i32
    %dma_wait3A_455 = tpu.memref_slice %arg2[%dma_wait3A_448, %add3A_447, %dma_wait3A_453, %dma_wait3A_454] : memref<1x1024x98x128xf32, #tpu.memory_space<hbm>> -> memref<1x1x98x128xf32, #tpu.memory_space<hbm>>
    %dma_wait3A_456 = tpu.memref_squeeze %dma_wait3A_455 : memref<1x1x98x128xf32, #tpu.memory_space<hbm>> -> memref<98x128xf32, #tpu.memory_space<hbm>>
    tpu.wait_dma2 semaphore(%arg7 : memref<!tpu.dma_semaphore, #tpu.memory_space<semaphore_mem>>) src(%dma_wait3A_456 : memref<98x128xf32, #tpu.memory_space<hbm>>) dst(%arg4 : memref<98x128xf32, #tpu.memory_space<vmem>>)
    %get3A_457 = arith.constant 0 : index
    %get3A_458 = tpu.vector_load %arg6[%get3A_457] {strides = array<i32>} : memref<16xf32, #tpu.memory_space<vmem>>, vector<16xf32>,
    %get3A_459 = vector.shape_cast %get3A_458 : vector<16xf32> to vector<16xf32>
    %get3A_460 = arith.constant 0 : i32
    %get3A_461 = arith.index_cast %get3A_460 : i32 to index
    %get3A_462 = arith.constant 0 : index
    %get3A_463 = tpu.vector_load %arg4[%get3A_461, %get3A_462] {strides = array<i32>} : memref<98x128xf32, #tpu.memory_space<vmem>>, vector<1x16xf32>,
    %get3A_464 = vector.shape_cast %get3A_463 : vector<1x16xf32> to vector<16xf32>
    %add3A_465 = arith.addf %get3A_459, %get3A_464 : vector<16xf32>
    %swap3A_466 = arith.constant 0 : index
    %swap3A_467 = tpu.vector_load %arg6[%swap3A_466] {strides = array<i32>} : memref<16xf32, #tpu.memory_space<vmem>>, vector<16xf32>,
    %swap3A_468 = vector.shape_cast %swap3A_467 : vector<16xf32> to vector<16xf32>
    %swap3A_469 = vector.shape_cast %add3A_465 : vector<16xf32> to vector<16xf32>
    tpu.vector_store %arg6[%swap3A_466], %swap3A_469 {strides = array<i32>} : memref<16xf32, #tpu.memory_space<vmem>>, vector<16xf32>,
    %add3A_470 = arith.constant 14 : i32
    %add3A_471 = arith.addi %mul3A_2, %add3A_470 : i32
    %dma_start3A_472 = arith.constant 0 : i32
    %dma_start3A_473 = arith.constant 0 : i32
    %dma_start3A_474 = arith.constant 0 : i32
    %dma_start3A_475 = tpu.memref_slice %arg2[%dma_start3A_472, %add3A_471, %dma_start3A_473, %dma_start3A_474] : memref<1x1024x98x128xf32, #tpu.memory_space<hbm>> -> memref<1x1x98x128xf32, #tpu.memory_space<hbm>>
    %dma_start3A_476 = tpu.memref_squeeze %dma_start3A_475 : memref<1x1x98x128xf32, #tpu.memory_space<hbm>> -> memref<98x128xf32, #tpu.memory_space<hbm>>
    %dma_start3A_477 = arith.constant 0 : i32
    %dma_start3A_478 = arith.constant 0 : i32
    %dma_start3A_479 = tpu.memref_slice %arg2[%dma_start3A_472, %add3A_471, %dma_start3A_477, %dma_start3A_478] : memref<1x1024x98x128xf32, #tpu.memory_space<hbm>> -> memref<1x1x98x128xf32, #tpu.memory_space<hbm>>
    %dma_start3A_480 = tpu.memref_squeeze %dma_start3A_479 : memref<1x1x98x128xf32, #tpu.memory_space<hbm>> -> memref<98x128xf32, #tpu.memory_space<hbm>>
    tpu.enqueue_dma source(%dma_start3A_480 : memref<98x128xf32, #tpu.memory_space<hbm>>) target(%arg4 : memref<98x128xf32, #tpu.memory_space<vmem>>) target_semaphore(%arg7 : memref<!tpu.dma_semaphore, #tpu.memory_space<semaphore_mem>>)
    %add3A_481 = arith.constant 13 : i32
    %add3A_482 = arith.addi %mul3A_2, %add3A_481 : i32
    %dma_wait3A_483 = arith.constant 0 : i32
    %dma_wait3A_484 = arith.constant 0 : i32
    %dma_wait3A_485 = arith.constant 0 : i32
    %dma_wait3A_486 = tpu.memref_slice %arg2[%dma_wait3A_483, %add3A_482, %dma_wait3A_484, %dma_wait3A_485] : memref<1x1024x98x128xf32, #tpu.memory_space<hbm>> -> memref<1x1x98x128xf32, #tpu.memory_space<hbm>>
    %dma_wait3A_487 = tpu.memref_squeeze %dma_wait3A_486 : memref<1x1x98x128xf32, #tpu.memory_space<hbm>> -> memref<98x128xf32, #tpu.memory_space<hbm>>
    %dma_wait3A_488 = arith.constant 0 : i32
    %dma_wait3A_489 = arith.constant 0 : i32
    %dma_wait3A_490 = tpu.memref_slice %arg2[%dma_wait3A_483, %add3A_482, %dma_wait3A_488, %dma_wait3A_489] : memref<1x1024x98x128xf32, #tpu.memory_space<hbm>> -> memref<1x1x98x128xf32, #tpu.memory_space<hbm>>
    %dma_wait3A_491 = tpu.memref_squeeze %dma_wait3A_490 : memref<1x1x98x128xf32, #tpu.memory_space<hbm>> -> memref<98x128xf32, #tpu.memory_space<hbm>>
    tpu.wait_dma2 semaphore(%arg8 : memref<!tpu.dma_semaphore, #tpu.memory_space<semaphore_mem>>) src(%dma_wait3A_491 : memref<98x128xf32, #tpu.memory_space<hbm>>) dst(%arg5 : memref<98x128xf32, #tpu.memory_space<vmem>>)
    %get3A_492 = arith.constant 0 : index
    %get3A_493 = tpu.vector_load %arg6[%get3A_492] {strides = array<i32>} : memref<16xf32, #tpu.memory_space<vmem>>, vector<16xf32>,
    %get3A_494 = vector.shape_cast %get3A_493 : vector<16xf32> to vector<16xf32>
    %get3A_495 = arith.constant 0 : i32
    %get3A_496 = arith.index_cast %get3A_495 : i32 to index
    %get3A_497 = arith.constant 0 : index
    %get3A_498 = tpu.vector_load %arg5[%get3A_496, %get3A_497] {strides = array<i32>} : memref<98x128xf32, #tpu.memory_space<vmem>>, vector<1x16xf32>,
    %get3A_499 = vector.shape_cast %get3A_498 : vector<1x16xf32> to vector<16xf32>
    %add3A_500 = arith.addf %get3A_494, %get3A_499 : vector<16xf32>
    %swap3A_501 = arith.constant 0 : index
    %swap3A_502 = tpu.vector_load %arg6[%swap3A_501] {strides = array<i32>} : memref<16xf32, #tpu.memory_space<vmem>>, vector<16xf32>,
    %swap3A_503 = vector.shape_cast %swap3A_502 : vector<16xf32> to vector<16xf32>
    %swap3A_504 = vector.shape_cast %add3A_500 : vector<16xf32> to vector<16xf32>
    tpu.vector_store %arg6[%swap3A_501], %swap3A_504 {strides = array<i32>} : memref<16xf32, #tpu.memory_space<vmem>>, vector<16xf32>,
    %add3A_505 = arith.constant 15 : i32
    %add3A_506 = arith.addi %mul3A_2, %add3A_505 : i32
    %dma_start3A_507 = arith.constant 0 : i32
    %dma_start3A_508 = arith.constant 0 : i32
    %dma_start3A_509 = arith.constant 0 : i32
    %dma_start3A_510 = tpu.memref_slice %arg2[%dma_start3A_507, %add3A_506, %dma_start3A_508, %dma_start3A_509] : memref<1x1024x98x128xf32, #tpu.memory_space<hbm>> -> memref<1x1x98x128xf32, #tpu.memory_space<hbm>>
    %dma_start3A_511 = tpu.memref_squeeze %dma_start3A_510 : memref<1x1x98x128xf32, #tpu.memory_space<hbm>> -> memref<98x128xf32, #tpu.memory_space<hbm>>
    %dma_start3A_512 = arith.constant 0 : i32
    %dma_start3A_513 = arith.constant 0 : i32
    %dma_start3A_514 = tpu.memref_slice %arg2[%dma_start3A_507, %add3A_506, %dma_start3A_512, %dma_start3A_513] : memref<1x1024x98x128xf32, #tpu.memory_space<hbm>> -> memref<1x1x98x128xf32, #tpu.memory_space<hbm>>
    %dma_start3A_515 = tpu.memref_squeeze %dma_start3A_514 : memref<1x1x98x128xf32, #tpu.memory_space<hbm>> -> memref<98x128xf32, #tpu.memory_space<hbm>>
    tpu.enqueue_dma source(%dma_start3A_515 : memref<98x128xf32, #tpu.memory_space<hbm>>) target(%arg5 : memref<98x128xf32, #tpu.memory_space<vmem>>) target_semaphore(%arg8 : memref<!tpu.dma_semaphore, #tpu.memory_space<semaphore_mem>>)
    %add3A_516 = arith.constant 14 : i32
    %add3A_517 = arith.addi %mul3A_2, %add3A_516 : i32
    %dma_wait3A_518 = arith.constant 0 : i32
    %dma_wait3A_519 = arith.constant 0 : i32
    %dma_wait3A_520 = arith.constant 0 : i32
    %dma_wait3A_521 = tpu.memref_slice %arg2[%dma_wait3A_518, %add3A_517, %dma_wait3A_519, %dma_wait3A_520] : memref<1x1024x98x128xf32, #tpu.memory_space<hbm>> -> memref<1x1x98x128xf32, #tpu.memory_space<hbm>>
    %dma_wait3A_522 = tpu.memref_squeeze %dma_wait3A_521 : memref<1x1x98x128xf32, #tpu.memory_space<hbm>> -> memref<98x128xf32, #tpu.memory_space<hbm>>
    %dma_wait3A_523 = arith.constant 0 : i32
    %dma_wait3A_524 = arith.constant 0 : i32
    %dma_wait3A_525 = tpu.memref_slice %arg2[%dma_wait3A_518, %add3A_517, %dma_wait3A_523, %dma_wait3A_524] : memref<1x1024x98x128xf32, #tpu.memory_space<hbm>> -> memref<1x1x98x128xf32, #tpu.memory_space<hbm>>
    %dma_wait3A_526 = tpu.memref_squeeze %dma_wait3A_525 : memref<1x1x98x128xf32, #tpu.memory_space<hbm>> -> memref<98x128xf32, #tpu.memory_space<hbm>>
    tpu.wait_dma2 semaphore(%arg7 : memref<!tpu.dma_semaphore, #tpu.memory_space<semaphore_mem>>) src(%dma_wait3A_526 : memref<98x128xf32, #tpu.memory_space<hbm>>) dst(%arg4 : memref<98x128xf32, #tpu.memory_space<vmem>>)
    %get3A_527 = arith.constant 0 : index
    %get3A_528 = tpu.vector_load %arg6[%get3A_527] {strides = array<i32>} : memref<16xf32, #tpu.memory_space<vmem>>, vector<16xf32>,
    %get3A_529 = vector.shape_cast %get3A_528 : vector<16xf32> to vector<16xf32>
    %get3A_530 = arith.constant 0 : i32
    %get3A_531 = arith.index_cast %get3A_530 : i32 to index
    %get3A_532 = arith.constant 0 : index
    %get3A_533 = tpu.vector_load %arg4[%get3A_531, %get3A_532] {strides = array<i32>} : memref<98x128xf32, #tpu.memory_space<vmem>>, vector<1x16xf32>,
    %get3A_534 = vector.shape_cast %get3A_533 : vector<1x16xf32> to vector<16xf32>
    %add3A_535 = arith.addf %get3A_529, %get3A_534 : vector<16xf32>
    %swap3A_536 = arith.constant 0 : index
    %swap3A_537 = tpu.vector_load %arg6[%swap3A_536] {strides = array<i32>} : memref<16xf32, #tpu.memory_space<vmem>>, vector<16xf32>,
    %swap3A_538 = vector.shape_cast %swap3A_537 : vector<16xf32> to vector<16xf32>
    %swap3A_539 = vector.shape_cast %add3A_535 : vector<16xf32> to vector<16xf32>
    tpu.vector_store %arg6[%swap3A_536], %swap3A_539 {strides = array<i32>} : memref<16xf32, #tpu.memory_space<vmem>>, vector<16xf32>,
    %add3A_540 = arith.constant 15 : i32
    %add3A_541 = arith.addi %mul3A_2, %add3A_540 : i32
    %dma_wait3A_542 = arith.constant 0 : i32
    %dma_wait3A_543 = arith.constant 0 : i32
    %dma_wait3A_544 = arith.constant 0 : i32
    %dma_wait3A_545 = tpu.memref_slice %arg2[%dma_wait3A_542, %add3A_541, %dma_wait3A_543, %dma_wait3A_544] : memref<1x1024x98x128xf32, #tpu.memory_space<hbm>> -> memref<1x1x98x128xf32, #tpu.memory_space<hbm>>
    %dma_wait3A_546 = tpu.memref_squeeze %dma_wait3A_545 : memref<1x1x98x128xf32, #tpu.memory_space<hbm>> -> memref<98x128xf32, #tpu.memory_space<hbm>>
    %dma_wait3A_547 = arith.constant 0 : i32
    %dma_wait3A_548 = arith.constant 0 : i32
    %dma_wait3A_549 = tpu.memref_slice %arg2[%dma_wait3A_542, %add3A_541, %dma_wait3A_547, %dma_wait3A_548] : memref<1x1024x98x128xf32, #tpu.memory_space<hbm>> -> memref<1x1x98x128xf32, #tpu.memory_space<hbm>>
    %dma_wait3A_550 = tpu.memref_squeeze %dma_wait3A_549 : memref<1x1x98x128xf32, #tpu.memory_space<hbm>> -> memref<98x128xf32, #tpu.memory_space<hbm>>
    tpu.wait_dma2 semaphore(%arg8 : memref<!tpu.dma_semaphore, #tpu.memory_space<semaphore_mem>>) src(%dma_wait3A_550 : memref<98x128xf32, #tpu.memory_space<hbm>>) dst(%arg5 : memref<98x128xf32, #tpu.memory_space<vmem>>)
    %get3A_551 = arith.constant 0 : index
    %get3A_552 = tpu.vector_load %arg6[%get3A_551] {strides = array<i32>} : memref<16xf32, #tpu.memory_space<vmem>>, vector<16xf32>,
    %get3A_553 = vector.shape_cast %get3A_552 : vector<16xf32> to vector<16xf32>
    %get3A_554 = arith.constant 0 : i32
    %get3A_555 = arith.index_cast %get3A_554 : i32 to index
    %get3A_556 = arith.constant 0 : index
    %get3A_557 = tpu.vector_load %arg5[%get3A_555, %get3A_556] {strides = array<i32>} : memref<98x128xf32, #tpu.memory_space<vmem>>, vector<1x16xf32>,
    %get3A_558 = vector.shape_cast %get3A_557 : vector<1x16xf32> to vector<16xf32>
    %add3A_559 = arith.addf %get3A_553, %get3A_558 : vector<16xf32>
    %swap3A_560 = arith.constant 0 : index
    %swap3A_561 = tpu.vector_load %arg6[%swap3A_560] {strides = array<i32>} : memref<16xf32, #tpu.memory_space<vmem>>, vector<16xf32>,
    %swap3A_562 = vector.shape_cast %swap3A_561 : vector<16xf32> to vector<16xf32>
    %swap3A_563 = vector.shape_cast %add3A_559 : vector<16xf32> to vector<16xf32>
    tpu.vector_store %arg6[%swap3A_560], %swap3A_563 {strides = array<i32>} : memref<16xf32, #tpu.memory_space<vmem>>, vector<16xf32>,
    "tpu.region"() ({
      %run_scoped3A = tpu.sem_alloc : memref<!tpu.dma_semaphore, #tpu.memory_space<semaphore_mem>>
      %dma_start3A_564 = arith.constant 0 : i32
      %dma_start3A_565 = tpu.memref_slice %arg3[%add3A, %dma_start3A_564] : memref<32x16xf32, #tpu.memory_space<hbm>> -> memref<1x16xf32, #tpu.memory_space<hbm>>
      %dma_start3A_566 = tpu.memref_squeeze %dma_start3A_565 : memref<1x16xf32, #tpu.memory_space<hbm>> -> memref<16xf32, #tpu.memory_space<hbm>>
      %dma_start3A_567 = arith.constant 0 : i32
      %dma_start3A_568 = tpu.memref_slice %arg3[%add3A, %dma_start3A_567] : memref<32x16xf32, #tpu.memory_space<hbm>> -> memref<1x16xf32, #tpu.memory_space<hbm>>
      %dma_start3A_569 = tpu.memref_squeeze %dma_start3A_568 : memref<1x16xf32, #tpu.memory_space<hbm>> -> memref<16xf32, #tpu.memory_space<hbm>>
      tpu.enqueue_dma source(%arg6 : memref<16xf32, #tpu.memory_space<vmem>>) target(%dma_start3A_569 : memref<16xf32, #tpu.memory_space<hbm>>) target_semaphore(%run_scoped3A : memref<!tpu.dma_semaphore, #tpu.memory_space<semaphore_mem>>)
      %dma_wait3A_570 = arith.constant 0 : i32
      %dma_wait3A_571 = tpu.memref_slice %arg3[%add3A, %dma_wait3A_570] : memref<32x16xf32, #tpu.memory_space<hbm>> -> memref<1x16xf32, #tpu.memory_space<hbm>>
      %dma_wait3A_572 = tpu.memref_squeeze %dma_wait3A_571 : memref<1x16xf32, #tpu.memory_space<hbm>> -> memref<16xf32, #tpu.memory_space<hbm>>
      %dma_wait3A_573 = arith.constant 0 : i32
      %dma_wait3A_574 = tpu.memref_slice %arg3[%add3A, %dma_wait3A_573] : memref<32x16xf32, #tpu.memory_space<hbm>> -> memref<1x16xf32, #tpu.memory_space<hbm>>
      %dma_wait3A_575 = tpu.memref_squeeze %dma_wait3A_574 : memref<1x16xf32, #tpu.memory_space<hbm>> -> memref<16xf32, #tpu.memory_space<hbm>>
      tpu.wait_dma2 semaphore(%run_scoped3A : memref<!tpu.dma_semaphore, #tpu.memory_space<semaphore_mem>>) src(%arg6 : memref<16xf32, #tpu.memory_space<vmem>>) dst(%dma_wait3A_575 : memref<16xf32, #tpu.memory_space<hbm>>)
      tpu.yield
    }) : () -> ()
    return
  }
}

module attributes {stable_mosaic.version = 14 : i64} {
  func.func @_tc_body(%arg0: i32, %arg1: memref<1x128x98x128xf32, #tpu.memory_space<vmem>>, %arg2: memref<128x128xf32, #tpu.memory_space<vmem>>) attributes {dimension_semantics = [#tpu.dimension_semantics<arbitrary>], iteration_bounds = array<i64: 4>, scalar_prefetch = 0 : i64, scratch_operands = 0 : i64, tpu.core_type = #tpu.core_type<tc>, window_params = [{transform_indices = @transform_0, window_bounds = array<i64: 1, 128, 98, 128>}, {transform_indices = @transform_1, window_bounds = array<i64: 128, 128>}]} {
    %get3A = arith.constant 0 : index
    %get3A_0 = arith.constant 0 : index
    %get3A_1 = arith.constant 0 : index
    %get3A_2 = arith.constant 0 : index
    %get3A_3 = vector.load %arg1[%get3A, %get3A_0, %get3A_1, %get3A_2] : memref<1x128x98x128xf32, #tpu.memory_space<vmem>>, vector<1x128x98x128xf32>
    %get3A_4 = vector.shape_cast %get3A_3 : vector<1x128x98x128xf32> to vector<128x98x128xf32>
    %reduce_sum3A = arith.constant dense<0.000000e+00> : vector<128x128xf32>
    %reduce_sum3A_5 = vector.multi_reduction <add>, %get3A_4, %reduce_sum3A [1] : vector<128x98x128xf32> to vector<128x128xf32>
    %div3A = arith.constant 9.800000e+01 : f32
    %div3A_6 = vector.broadcast %div3A : f32 to vector<128x128xf32>
    %div3A_7 = arith.divf %reduce_sum3A_5, %div3A_6 : vector<128x128xf32>
    %swap3A = arith.constant 0 : index
    %swap3A_8 = arith.constant 0 : index
    %swap3A_9 = vector.load %arg2[%swap3A, %swap3A_8] : memref<128x128xf32, #tpu.memory_space<vmem>>, vector<128x128xf32>
    tpu.vector_store %arg2[%swap3A, %swap3A_8], %div3A_7 {strides = array<i32>} : memref<128x128xf32, #tpu.memory_space<vmem>>, vector<128x128xf32>,
    return
  }
  func.func @transform_0(%arg0: i32) -> (i32, i32, i32, i32) {
    %add3A = arith.constant 4 : i32
    %add3A_0 = arith.addi %arg0, %add3A : i32
    %c0_i32 = arith.constant 0 : i32
    %c0_i32_1 = arith.constant 0 : i32
    %c0_i32_2 = arith.constant 0 : i32
    %c0_i32_3 = arith.constant 0 : i32
    return %c0_i32, %add3A_0, %c0_i32_1, %c0_i32_2 : i32, i32, i32, i32
  }
  func.func @transform_1(%arg0: i32) -> (i32, i32) {
    %c0_i32 = arith.constant 0 : i32
    %c0_i32_0 = arith.constant 0 : i32
    return %arg0, %c0_i32 : i32, i32
  }
}

</mosaic_0001>

<sc_bundles>
// kernel: kernel.4.cloned.1.call-start
scs
__scs_entry_jumppad:
0x0: {  	(pc) =	sbr.rel $0x88, $3  }
0x1: {  	(tag) =	ssettag $0x0;
	lr =	simm.s32 $0x1  }
0x2: {  	[smem:$0x3FA0] =	sst lr;
	_ =	strace $0xD0000000  }
0x3: {  	_ = 	snop  }
0x4: {  	_ = 	snop  }
0x5: {  	_ = 	snop  }
0x6: {  	_ = 	snop  }
0x7: {  	_ = 	snop  }
__scs_overlays_trampoline_lowered:
0x8: {  	[smem:$0x3FAF] =	sst s0  }
0x9: {  	[smem:$0x3FB0] =	sst s1  }
0xa: {  	[smem:$0x3FB1] =	sst s2  }
0xb: {  	[smem:$0x3FB2] =	sst s3  }
0xc: {  	[smem:$0x3FB3] =	sst s4  }
0xd: {  	[smem:$0x3FB4] =	sst s5  }
0xe: {  	[smem:$0x3FB5] =	sst s6  }
0xf: {  	[smem:$0x3FB6] =	sst s7  }
0x10: {  	[smem:$0x3FB7] =	sst s8  }
0x11: {  	[smem:$0x3FB8] =	sst s9;
	s0 =	simm.s32 @!p0 $0x0  }
0x12: {  	s1 =	sld [smem:$0x3F9E];
	s0 =	simm.s32 @p0 $0x1  }
0x13: {  	[smem:$0x3FB9] =	sst s0;
	s0 =	simm.s32 @!p1 $0x0  }
0x14: {  	s2 =	sld [smem:$0x3F9D];
	s0 =	simm.s32 @p1 $0x1  }
0x15: {  	[smem:$0x3FBA] =	sst s0;
	s0 =	simm.s32 @!p2 $0x0  }
0x16: {  	s3 =	sld [smem:$0x3FDB];
	s0 =	simm.s32 @p2 $0x1  }
0x17: {  	s4 =	simm.s32 $0x1BF5;
	[smem:$0x3FBC] =	sst s0  }
0x18: {  	s0 =	sld [smem:$0x3F9F];
	_ =	swait.ge [sflag:s4], $0x0  }
0x19: {  	s7 =	sld [smem:$0x3FA0]  }
0x1a: {  	s8 =	sadd.s32 $0xFFFFE003, lr  }
0x1b: {  	s9 =	sadd.s32 $0xFFFFFEF7, lr;
	s5 =	simm.s32 $0xFFFFFFFF;
	p2 =	slt.u32 s8, $0xFFFFF086  }
0x1c: {  	p1 =	slt.u32 s9, $0xF7A;
	s5 =	simm.s32 @!p2 $0x0  }
0x1d: {  	s5 =	simm.s32 @p1 $0x1;
	p0 =	seq.s32 s7, s2  }
0x1e: {  	s7 =	smul.u32 @!p0 $0xF7A, s2;
	p2 =	seq.s32 @!p0 s5, $0x0  }
0x1f: {  	s9 =	smul.u32 $0xF7A, s1;
	s8 =	simm.s32 @!p0 $0x1BF5;
	p2 =	por !p2, p0  }
0x20: {  	[sflag:s8] =	ssyncset.s32 @!p0 $0xFFFFF086;
	s6 =	sadd.s32 @!p0 s3, s7;
	s7 =	simm.s32 @!p0 $0x108  }
0x21: {  	s3 =	sadd.s32 s3, s9;
	s6 =	sadd.s32 @!p0 $0x88, s6;
	s7 =	simm.s32 @p2 $0x1082  }
0x22: {  	[simem:s7], [sflag:s8] =	dma.local @!p0 [hbm:s6], $0xF7A  }
0x23: {  	s9 =	sor.u32 $0xD0000000, s2;
	s6 =	simm.s32 $0x108;
	_ =	swait.ge @!p0 [sflag:s8], $0x0  }
0x24: {  	s3 =	sadd.s32 $0x88, s3;
	s6 =	simm.s32 @!p1 $0x1082;
	[sflag:s4] =	ssyncset.s32 $0xFFFFF086  }
0x25: {  	[simem:s6], [sflag:s4] =	dma.local [hbm:s3], $0xF7A  }
0x26: {  	[smem:$0x3FA0] =	sst s1;
	(tag) =	ssettag s2;
	_ =	strace s9  }
0x27: {  	s1 =	sld [smem:$0x3FB0]  }
0x28: {  	s2 =	sld [smem:$0x3FB1]  }
0x29: {  	s4 =	sld [smem:$0x3FB3]  }
0x2a: {  	p0 =	seq.s32 s5, $0x0;
	s5 =	sld [smem:$0x3FB4]  }
0x2b: {  	s6 =	sld [smem:$0x3FB5]  }
0x2c: {  	s7 =	sld [smem:$0x3FB6]  }
0x2d: {  	s3 =	simm.s32 $0x108;
	s8 =	sld [smem:$0x3FB7]  }
0x2e: {  	s3 =	simm.s32 @!p0 $0x1082;
	s9 =	sld [smem:$0x3FB8]  }
0x2f: {  	lr =	sadd.s32 s0, s3;
	s0 =	sld [smem:$0x3FAF]  }
0x30: {  	s3 =	sld [smem:$0x3FB2]  }
0x31: {  	[smem:$0x3FBB] =	sst s10  }
0x32: {  	s10 =	sld [smem:$0x3FB9];
	_ =	sdelay $0x3  }
0x33: {  	p0 =	seq.s32 s10, $0x1;
	s10 =	sld [smem:$0x3FBB];
	_ =	sdelay $0x3  }
0x34: {  	[smem:$0x3FBB] =	sst s10  }
0x35: {  	s10 =	sld [smem:$0x3FBA];
	_ =	sdelay $0x3  }
0x36: {  	p1 =	seq.s32 s10, $0x1;
	s10 =	sld [smem:$0x3FBB];
	_ =	sdelay $0x3  }
0x37: {  	[smem:$0x3FBB] =	sst s10  }
0x38: {  	s10 =	sld [smem:$0x3FBC]  }
0x39: {  	_ = 	snop;
	(pc) =	sbr.ind lr, $3  }
0x3a: {  	_ = 	snop  }
0x3b: {  	_ = 	snop  }
0x3c: {  	p2 =	seq.s32 s10, $0x1;
	s10 =	sld [smem:$0x3FBB]  }
0x3d: {  	_ =	shalt  }
0x3e: {  	_ =	shalt  }
0x3f: {  	_ =	shalt  }
0x40: {  	_ =	shalt  }
0x41: {  	_ =	shalt  }
0x42: {  	_ =	shalt  }
0x43: {  	_ =	shalt  }
0x44: {  	_ =	shalt  }
0x45: {  	_ =	shalt  }
0x46: {  	_ =	shalt  }
0x47: {  	_ =	shalt  }
0x48: {  	_ =	shalt  }
0x49: {  	_ =	shalt  }
0x4a: {  	_ =	shalt  }
0x4b: {  	_ =	shalt  }
0x4c: {  	_ =	shalt  }
0x4d: {  	_ =	shalt  }
0x4e: {  	_ =	shalt  }
0x4f: {  	_ =	shalt  }
0x50: {  	_ =	shalt  }
0x51: {  	_ =	shalt  }
0x52: {  	_ =	shalt  }
0x53: {  	_ =	shalt  }
0x54: {  	_ =	shalt  }
0x55: {  	_ =	shalt  }
0x56: {  	_ =	shalt  }
0x57: {  	_ =	shalt  }
0x58: {  	_ =	shalt  }
0x59: {  	_ =	shalt  }
0x5a: {  	_ =	shalt  }
0x5b: {  	_ =	shalt  }
0x5c: {  	_ =	shalt  }
0x5d: {  	_ =	shalt  }
0x5e: {  	_ =	shalt  }
0x5f: {  	_ =	shalt  }
0x60: {  	_ =	shalt  }
0x61: {  	_ =	shalt  }
0x62: {  	_ =	shalt  }
0x63: {  	_ =	shalt  }
0x64: {  	_ =	shalt  }
0x65: {  	_ =	shalt  }
0x66: {  	_ =	shalt  }
0x67: {  	_ =	shalt  }
0x68: {  	_ =	shalt  }
0x69: {  	_ =	shalt  }
0x6a: {  	_ =	shalt  }
0x6b: {  	_ =	shalt  }
0x6c: {  	_ =	shalt  }
0x6d: {  	_ =	shalt  }
0x6e: {  	_ =	shalt  }
0x6f: {  	_ =	shalt  }
0x70: {  	_ =	shalt  }
0x71: {  	_ =	shalt  }
0x72: {  	_ =	shalt  }
0x73: {  	_ =	shalt  }
0x74: {  	_ =	shalt  }
0x75: {  	_ =	shalt  }
0x76: {  	_ =	shalt  }
0x77: {  	_ =	shalt  }
0x78: {  	_ =	shalt  }
0x79: {  	_ =	shalt  }
0x7a: {  	_ =	shalt  }
0x7b: {  	_ =	shalt  }
0x7c: {  	_ =	shalt  }
0x7d: {  	_ =	shalt  }
0x7e: {  	_ =	shalt  }
0x7f: {  	_ =	shalt  }
0x80: {  	_ =	shalt  }
0x81: {  	_ =	shalt  }
0x82: {  	_ =	shalt  }
0x83: {  	_ =	shalt  }
0x84: {  	_ =	shalt  }
0x85: {  	_ =	shalt  }
0x86: {  	_ =	shalt  }
0x87: {  	_ =	shalt  }
.Lfunc_end0:
.L_simem_size_0:
called_computation_lowered:
.L_overlay_start_0:
0x88: {  	s2 =	sld [smem:$0x3FD9]  }
0x89: {  	s3 =	sld [smem:$0x3FFE];
	_ =	sdelay $0x1  }
0x8a: {  	s1 =	srdreg.scid  }
0x8b: {  	s0 =	sand.u32 $0x1, s1  }
0x8c: {  	s17 =	sshll.u32 s0, $0xA;
	s2 =	sadd.s32 s3, s2  }
0x8d: {  	s2 =	sadd.s32 s2, s17  }
0x8e: {  	[smem:$0x3FC7] =	sst s2  }
0x8f: {  	_ = 	snop  }
0x90: {  	s2 =	sld [smem:$0x3FD0];
	(tm) =	ssettm $0x1  }
0x91: {  	s18 =	sld [smem:$0x3FFB];
	_ =	sdelay $0x3  }
0x92: {  	_ =	strace s18  }
0x93: {  	s3 =	sld [smem:$0x3FFC];
	_ =	sdelay $0x3  }
0x94: {  	_ =	strace s3  }
0x95: {  	s3 =	sld [smem:$0x3FFD];
	_ =	sdelay $0x3  }
0x96: {  	_ =	strace s3  }
0x97: {  	_ =	strace $0x8FFFFFFF  }
0x98: {  	s19 =	sld [smem:$0x3FDB];
	_ =	sdelay $0x1  }
0x99: {  	s4 =	simm.s32 $_scs_section_size  }
0x9a: {  	s5 =	simm.s32 $_size__tile_overlayer_lowered;
	s6 =	simm.s32 $_tile_overlayer_lowered  }
0x9b: {  	s22 =	simm.s32 $0x1BFF;
	s21 =	sshll.u32 s6, $0x1;
	s3 =	sadd.s32 s4, s19  }
0x9c: {  	s7 =	simm.s32 $0x0;
	s20 =	sshll.u32 s5, $0x1;
	s5 =	sadd.s32 s21, s3  }
0x9d: {  	[timem:s7], [sflag:s22] =	dma.local [hbm:s5], s20  }
0x9e: {  	_ =	swait.ge [sflag:s22], s20  }
0x9f: {  	s4 =	ssub.s32 $0x0, s20;
	[sflag:s22] =	ssyncset.done $0x0  }
0xa0: {  	[sflag:s22] =	ssyncadd.s32 s4;
	_ =	sdelay $0x1  }
0xa1: {  	s23 =	simm.s32 $0x1B8B  }
0xa2: {  	_ =	swait.ge [sflag:s23], $0x1  }
0xa3: {  	[sflag:s23] =	ssyncset.done $0x0  }
0xa4: {  	s25 =	simm.s32 $0x1B8E;
	s24 =	sld [smem:$0x3FFE];
	[sflag:s23] =	ssyncadd.s32 $0xFFFFFFFF  }
0xa5: {  	s26 =	simm.s32 $execute0_lowered;
	[smem:$0x3FD2] =	sst s25  }
0xa6: {  	s5 =	sshll.u32 s26, $0x1;
	_ =	strace $0x80000046;
	[dreg:$0x1] =	wrdreg $0xFFFFFFFF  }
0xa7: {  	s28 =	simm.s32 $_size_execute0_lowered;
	s3 =	sadd.s32 s3, s5;
	[dreg:$0x0] =	wrdreg $0x0  }
0xa8: {  	s5 =	sshll.u32 s28, $0x1;
	[dreg:$0x2] =	wrdreg s3  }
0xa9: {  	[dreg:$0x3] =	wrdreg s5  }
0xaa: {  	[dreg:$0x4] =	wrdreg $0xC0  }
0xab: {  	_ =	task [dreg:s7], $0x5FFFF  }
0xac: {  	[dreg:$0x1] =	wrdreg $0xFFFFFFFF  }
0xad: {  	[dreg:$0x0] =	wrdreg $0x60  }
0xae: {  	[dreg:$0x2] =	wrdreg s24  }
0xaf: {  	[dreg:$0x3] =	wrdreg s2  }
0xb0: {  	[dreg:$0x4] =	wrdreg $0x9  }
0xb1: {  	_ =	task.clear_ibuf [dreg:s7], $0x5FFFF;
	_ =	strace $0x90000046  }
0xb2: {  	s29 =	simm.s32 $0x9;
	_ =	strace $0x80000048  }
0xb3: {  	_ =	swait.ge [sflag:s29], $0x1  }
0xb4: {  	[sflag:s29] =	ssyncadd.s32 $0xFFFFFFFF  }
0xb5: {  	_ =	strace $0x90000048  }
0xb6: {  	_ =	sfence  }
0xb7: {  	s30 =	sld [smem:$0x0];
	_ =	sdelay $0x2  }
0xb8: {  	s31 =	sshll.u32 s1, $0xD;
	s1 =	sshrl.u32 s1, $0x2  }
0xb9: {  	s3 =	sand.u32 $0x4000, s31;
	s1 =	sadd.s32 s1, s30  }
0xba: {  	s0 =	sor.u32 s3, s0;
	s1 =	sshll.u32 s1, $0x11  }
0xbb: {  	s0 =	sor.u32 s1, s0  }
0xbc: {  	s0 =	sadd.s32 $0x8F2B, s0  }
0xbd: {  	[sflag:s0] =	ssyncadd.remote.s32 $0x1  }
0xbe: {  	_ =	sfence.sel $0xFFFF  }
0xbf: {  	[dreg:$0x0] =	wrdreg $0xFFFFFFFF;
	(pc) =	sbr.abs _section_cstart, $3  }
0xc0: {  	[dreg:$0x1] =	wrdreg $0xFFFFFFFF  }
0xc1: {  	_ =	task.clear_ibuf [dreg:s7], $0x2FFFF;
	_ =	strace $0x9FFFFFFF  }
0xc2: {  	(tm) =	ssettm $0x7FFFFFFF  }
0xc3: {  	_ =	shalt  }
tec
execute0_lowered:
.L_overlay_start_1:
0x0: {  	(tag) =	ssettag $0x1  }
0x1: {  	s1 =	srdreg.scid;
	s0 =	stileid.u32  }
0x2: {  	s23 =	sand.u32 $0x1, s1;
	s4 =	sshll.u32 s0, $0x1  }
0x3: {  	s3 =	rddreg [dreg:$0x0];
	s24 =	sor.u32 s23, s4  }
0x4: {  	s22 =	rddreg [dreg:$0x1];
	s2 =	simm.s32 $0x0;
	s4 =	smul.u32 $0x6800, s24  }
0x5: {  	v0 =	vimm.f32 $0.0e+00;
	[smem:$0x7FF] =	sst s2;
	s7 =	sadd.s32 $0x400, s3  }
0x6: {  	s1 =	rddreg [dreg:$0x2];
	_ =	strace $0x80000047;
	[tilespmem:$0x6800] =	vst v0;
	s3 =	sadd.s32 s7, s4  }
0x7: {  	[tilespmem:s2], [sflag:$0x1] =	stream.linear.gather [hbm4b:s3+s2], $0x3100, $0x38;
	[tilespmem:$0x6880] =	vst v63  }
0x8: {  	s5 =	simm.s32 $0x3400;
	s6 =	simm.s32 $0x1;
	s4 =	sadd.s32 $0x680, s3  }
0x9: {  	[tilespmem:s5], [sflag:$0x2] =	stream.linear.gather [hbm4b:s4+s2], $0x3100, $0x38;
	[tilespmem:$0x6880] =	vst v63  }
0xa: {  	_ =	swait.ge [sflag:s6], $0x3100  }
0xb: {  	[sflag:s6] =	ssyncset.done $0x0  }
0xc: {  	[sflag:s6] =	ssyncadd.s32 $0xFFFFCF00  }
0xd: {  	v1 =	vld [tilespmem:$0x6800]  }
0xe: {  	v2 =	vld [tilespmem:$0x0];
	_ =	sdelay $0x2  }
0xf: {  	s8 =	smul.u32 $0x34000, s24;
	_ =	sdelay $0x1  }
0x10: {  	s8 =	sshrl.u32 s8, $0x3;
	v1 =	vadd.f32 v2, v1  }
0x11: {  	s21 =	sadd.s32 s7, s8  }
0x12: {  	s7 =	simm.s32 $0x2;
	s8 =	sadd.s32 $0xD00, s21;
	[tilespmem:$0x6800] =	vst v1  }
0x13: {  	[tilespmem:s2], [sflag:$0x1] =	stream.linear.gather [hbm4b:s8+s2], $0x3100, $0x38;
	[tilespmem:$0x6880] =	vst v63  }
0x14: {  	_ =	swait.ge [sflag:s7], $0x3100  }
0x15: {  	[sflag:s7] =	ssyncset.done $0x0  }
0x16: {  	[sflag:s7] =	ssyncadd.s32 $0xFFFFCF00  }
0x17: {  	v1 =	vld [tilespmem:$0x6800]  }
0x18: {  	v2 =	vld [tilespmem:$0x3400];
	_ =	sdelay $0x4  }
0x19: {  	v1 =	vadd.f32 v2, v1;
	_ =	sdelay $0x1  }
0x1a: {  	s9 =	sadd.s32 $0x1380, s21;
	[tilespmem:$0x6800] =	vst v1  }
0x1b: {  	[tilespmem:s5], [sflag:$0x2] =	stream.linear.gather [hbm4b:s9+s2], $0x3100, $0x38;
	[tilespmem:$0x6880] =	vst v63  }
0x1c: {  	_ =	swait.ge [sflag:s6], $0x3100  }
0x1d: {  	[sflag:s6] =	ssyncset.done $0x0  }
0x1e: {  	[sflag:s6] =	ssyncadd.s32 $0xFFFFCF00  }
0x1f: {  	v1 =	vld [tilespmem:$0x6800]  }
0x20: {  	v2 =	vld [tilespmem:$0x0];
	_ =	sdelay $0x4  }
0x21: {  	v1 =	vadd.f32 v2, v1;
	_ =	sdelay $0x1  }
0x22: {  	s10 =	sadd.s32 $0x1A00, s21;
	[tilespmem:$0x6800] =	vst v1  }
0x23: {  	[tilespmem:s2], [sflag:$0x1] =	stream.linear.gather [hbm4b:s10+s2], $0x3100, $0x38;
	[tilespmem:$0x6880] =	vst v63  }
0x24: {  	_ =	swait.ge [sflag:s7], $0x3100  }
0x25: {  	[sflag:s7] =	ssyncset.done $0x0  }
0x26: {  	[sflag:s7] =	ssyncadd.s32 $0xFFFFCF00  }
0x27: {  	v1 =	vld [tilespmem:$0x6800]  }
0x28: {  	v2 =	vld [tilespmem:$0x3400];
	_ =	sdelay $0x4  }
0x29: {  	v1 =	vadd.f32 v2, v1;
	_ =	sdelay $0x1  }
0x2a: {  	s11 =	sadd.s32 $0x2080, s21;
	[tilespmem:$0x6800] =	vst v1  }
0x2b: {  	[tilespmem:s5], [sflag:$0x2] =	stream.linear.gather [hbm4b:s11+s2], $0x3100, $0x38;
	[tilespmem:$0x6880] =	vst v63  }
0x2c: {  	_ =	swait.ge [sflag:s6], $0x3100  }
0x2d: {  	[sflag:s6] =	ssyncset.done $0x0  }
0x2e: {  	[sflag:s6] =	ssyncadd.s32 $0xFFFFCF00  }
0x2f: {  	v1 =	vld [tilespmem:$0x6800]  }
0x30: {  	v2 =	vld [tilespmem:$0x0];
	_ =	sdelay $0x4  }
0x31: {  	v1 =	vadd.f32 v2, v1;
	_ =	sdelay $0x1  }
0x32: {  	s12 =	sadd.s32 $0x2700, s21;
	[tilespmem:$0x6800] =	vst v1  }
0x33: {  	[tilespmem:s2], [sflag:$0x1] =	stream.linear.gather [hbm4b:s12+s2], $0x3100, $0x38;
	[tilespmem:$0x6880] =	vst v63  }
0x34: {  	_ =	swait.ge [sflag:s7], $0x3100  }
0x35: {  	[sflag:s7] =	ssyncset.done $0x0  }
0x36: {  	[sflag:s7] =	ssyncadd.s32 $0xFFFFCF00  }
0x37: {  	v1 =	vld [tilespmem:$0x6800]  }
0x38: {  	v2 =	vld [tilespmem:$0x3400];
	_ =	sdelay $0x4  }
0x39: {  	v1 =	vadd.f32 v2, v1;
	_ =	sdelay $0x1  }
0x3a: {  	s13 =	sadd.s32 $0x2D80, s21;
	[tilespmem:$0x6800] =	vst v1  }
0x3b: {  	[tilespmem:s5], [sflag:$0x2] =	stream.linear.gather [hbm4b:s13+s2], $0x3100, $0x38;
	[tilespmem:$0x6880] =	vst v63  }
0x3c: {  	_ =	swait.ge [sflag:s6], $0x3100  }
0x3d: {  	[sflag:s6] =	ssyncset.done $0x0  }
0x3e: {  	[sflag:s6] =	ssyncadd.s32 $0xFFFFCF00  }
0x3f: {  	v1 =	vld [tilespmem:$0x6800]  }
0x40: {  	v2 =	vld [tilespmem:$0x0];
	_ =	sdelay $0x4  }
0x41: {  	v1 =	vadd.f32 v2, v1;
	_ =	sdelay $0x1  }
0x42: {  	s14 =	sadd.s32 $0x3400, s21;
	[tilespmem:$0x6800] =	vst v1  }
0x43: {  	[tilespmem:s2], [sflag:$0x1] =	stream.linear.gather [hbm4b:s14+s2], $0x3100, $0x38;
	[tilespmem:$0x6880] =	vst v63  }
0x44: {  	_ =	swait.ge [sflag:s7], $0x3100  }
0x45: {  	[sflag:s7] =	ssyncset.done $0x0  }
0x46: {  	[sflag:s7] =	ssyncadd.s32 $0xFFFFCF00  }
0x47: {  	v1 =	vld [tilespmem:$0x6800]  }
0x48: {  	v2 =	vld [tilespmem:$0x3400];
	_ =	sdelay $0x4  }
0x49: {  	v1 =	vadd.f32 v2, v1;
	_ =	sdelay $0x1  }
0x4a: {  	s15 =	sadd.s32 $0x3A80, s21;
	[tilespmem:$0x6800] =	vst v1  }
0x4b: {  	[tilespmem:s5], [sflag:$0x2] =	stream.linear.gather [hbm4b:s15+s2], $0x3100, $0x38;
	[tilespmem:$0x6880] =	vst v63  }
0x4c: {  	_ =	swait.ge [sflag:s6], $0x3100  }
0x4d: {  	[sflag:s6] =	ssyncset.done $0x0  }
0x4e: {  	[sflag:s6] =	ssyncadd.s32 $0xFFFFCF00  }
0x4f: {  	v1 =	vld [tilespmem:$0x6800]  }
0x50: {  	v2 =	vld [tilespmem:$0x0];
	_ =	sdelay $0x4  }
0x51: {  	v1 =	vadd.f32 v2, v1;
	_ =	sdelay $0x1  }
0x52: {  	s16 =	sadd.s32 $0x4100, s21;
	[tilespmem:$0x6800] =	vst v1  }
0x53: {  	[tilespmem:s2], [sflag:$0x1] =	stream.linear.gather [hbm4b:s16+s2], $0x3100, $0x38;
	[tilespmem:$0x6880] =	vst v63  }
0x54: {  	_ =	swait.ge [sflag:s7], $0x3100  }
0x55: {  	[sflag:s7] =	ssyncset.done $0x0  }
0x56: {  	[sflag:s7] =	ssyncadd.s32 $0xFFFFCF00  }
0x57: {  	v1 =	vld [tilespmem:$0x6800]  }
0x58: {  	v2 =	vld [tilespmem:$0x3400];
	_ =	sdelay $0x4  }
0x59: {  	v1 =	vadd.f32 v2, v1;
	_ =	sdelay $0x1  }
0x5a: {  	s17 =	sadd.s32 $0x4780, s21;
	[tilespmem:$0x6800] =	vst v1  }
0x5b: {  	[tilespmem:s5], [sflag:$0x2] =	stream.linear.gather [hbm4b:s17+s2], $0x3100, $0x38;
	[tilespmem:$0x6880] =	vst v63  }
0x5c: {  	_ =	swait.ge [sflag:s6], $0x3100  }
0x5d: {  	[sflag:s6] =	ssyncset.done $0x0  }
0x5e: {  	[sflag:s6] =	ssyncadd.s32 $0xFFFFCF00  }
0x5f: {  	v1 =	vld [tilespmem:$0x6800]  }
0x60: {  	v2 =	vld [tilespmem:$0x0];
	_ =	sdelay $0x4  }
0x61: {  	v1 =	vadd.f32 v2, v1;
	_ =	sdelay $0x1  }
0x62: {  	s18 =	sadd.s32 $0x4E00, s21;
	[tilespmem:$0x6800] =	vst v1  }
0x63: {  	[tilespmem:s2], [sflag:$0x1] =	stream.linear.gather [hbm4b:s18+s2], $0x3100, $0x38;
	[tilespmem:$0x6880] =	vst v63  }
0x64: {  	_ =	swait.ge [sflag:s7], $0x3100  }
0x65: {  	[sflag:s7] =	ssyncset.done $0x0  }
0x66: {  	[sflag:s7] =	ssyncadd.s32 $0xFFFFCF00  }
0x67: {  	v1 =	vld [tilespmem:$0x6800]  }
0x68: {  	v2 =	vld [tilespmem:$0x3400];
	_ =	sdelay $0x4  }
0x69: {  	v1 =	vadd.f32 v2, v1;
	_ =	sdelay $0x1  }
0x6a: {  	s19 =	sadd.s32 $0x5480, s21;
	[tilespmem:$0x6800] =	vst v1  }
0x6b: {  	[tilespmem:s5], [sflag:$0x2] =	stream.linear.gather [hbm4b:s19+s2], $0x3100, $0x38;
	[tilespmem:$0x6880] =	vst v63  }
0x6c: {  	_ =	swait.ge [sflag:s6], $0x3100  }
0x6d: {  	[sflag:s6] =	ssyncset.done $0x0  }
0x6e: {  	[sflag:s6] =	ssyncadd.s32 $0xFFFFCF00  }
0x6f: {  	v1 =	vld [tilespmem:$0x6800]  }
0x70: {  	v2 =	vld [tilespmem:$0x0];
	_ =	sdelay $0x4  }
0x71: {  	v1 =	vadd.f32 v2, v1;
	_ =	sdelay $0x1  }
0x72: {  	s20 =	sadd.s32 $0x5B00, s21;
	[tilespmem:$0x6800] =	vst v1  }
0x73: {  	[tilespmem:s2], [sflag:$0x1] =	stream.linear.gather [hbm4b:s20+s2], $0x3100, $0x38;
	[tilespmem:$0x6880] =	vst v63  }
0x74: {  	_ =	swait.ge [sflag:s7], $0x3100  }
0x75: {  	[sflag:s7] =	ssyncset.done $0x0  }
0x76: {  	[sflag:s7] =	ssyncadd.s32 $0xFFFFCF00  }
0x77: {  	v1 =	vld [tilespmem:$0x6800]  }
0x78: {  	v2 =	vld [tilespmem:$0x3400];
	_ =	sdelay $0x4  }
0x79: {  	v1 =	vadd.f32 v2, v1;
	_ =	sdelay $0x1  }
0x7a: {  	s21 =	sadd.s32 $0x6180, s21;
	[tilespmem:$0x6800] =	vst v1  }
0x7b: {  	[tilespmem:s5], [sflag:$0x2] =	stream.linear.gather [hbm4b:s21+s2], $0x3100, $0x38;
	[tilespmem:$0x6880] =	vst v63  }
0x7c: {  	s23 =	ssub.s32 $0x2, s23;
	_ =	swait.ge [sflag:s6], $0x3100  }
0x7d: {  	s25 =	sshrl.u32 s23, $0x1;
	[sflag:s6] =	ssyncset.done $0x0  }
0x7e: {  	s23 =	ssub.s32 s23, s25;
	[sflag:s6] =	ssyncadd.s32 $0xFFFFCF00  }
0x7f: {  	s25 =	smax.u32 s23, $0x1;
	v1 =	vld [tilespmem:$0x6800]  }
0x80: {  	p0 =	sne.s32 s25, $0x1;
	v2 =	vld [tilespmem:$0x0]  }
.Ltmp0:
0x81: {  	_ = 	snop;
	(pc) =	sbr.rel @!p0 .LBB2_2-.Ltmp0, $4  }
0x82: {  	_ = 	snop  }
0x83: {  	s24 =	sshll.u32 s24, $0x4  }
0x84: {  	s22 =	sadd.s32 s22, s24  }
0x85: {  	s24 =	simm.s32 $0x6800;
	s23 =	simm.s32 $0x3;
	s25 =	sadd.s32 $0xFFFFFFFF, s25;
	v1 =	vadd.f32 v2, v1  }
.LBB2_1:
0x86: {  	_ = 	snop  }
0x87: {  	p0 =	sne.s32 s25, $0x1;
	s25 =	sadd.s32 $0xFFFFFFFF, s25;
	[tilespmem:$0x6800] =	vst v1  }
0x88: {  	_ =	swait.ge [sflag:s7], $0x3100  }
0x89: {  	[sflag:s7] =	ssyncset.done $0x0  }
0x8a: {  	[sflag:s7] =	ssyncadd.s32 $0xFFFFCF00  }
0x8b: {  	v2 =	vld [tilespmem:$0x3400];
	_ =	sdelay $0x4  }
0x8c: {  	v1 =	vadd.f32 v2, v1;
	_ =	sdelay $0x1  }
0x8d: {  	[tilespmem:$0x6800] =	vst v1  }
0x8e: {  	[hbm4b:s22+s2] =	stream.linear.scatter [tilespmem:s24], [sflag:$0x3], $0x80, $0x38;
	[tilespmem:$0x6880] =	vst v63  }
0x8f: {  	_ =	swait.ge [sflag:s23], $0x80  }
0x90: {  	[sflag:s23] =	ssyncset.done $0x0  }
0x91: {  	[sflag:s23] =	ssyncadd.s32 $0xFFFFFF80  }
0x92: {  	[tilespmem:$0x6800] =	vst v0  }
0x93: {  	[tilespmem:s2], [sflag:$0x1] =	stream.linear.gather [hbm4b:s3+s2], $0x3100, $0x38;
	[tilespmem:$0x6880] =	vst v63  }
0x94: {  	_ = 	snop  }
0x95: {  	[tilespmem:s5], [sflag:$0x2] =	stream.linear.gather [hbm4b:s4+s2], $0x3100, $0x38;
	[tilespmem:$0x6880] =	vst v63  }
0x96: {  	_ =	swait.ge [sflag:s6], $0x3100  }
0x97: {  	[sflag:s6] =	ssyncset.done $0x0  }
0x98: {  	[sflag:s6] =	ssyncadd.s32 $0xFFFFCF00  }
0x99: {  	v1 =	vld [tilespmem:$0x6800]  }
0x9a: {  	v2 =	vld [tilespmem:$0x0];
	_ =	sdelay $0x4  }
0x9b: {  	v1 =	vadd.f32 v2, v1;
	_ =	sdelay $0x1  }
0x9c: {  	[tilespmem:$0x6800] =	vst v1  }
0x9d: {  	[tilespmem:s2], [sflag:$0x1] =	stream.linear.gather [hbm4b:s8+s2], $0x3100, $0x38;
	[tilespmem:$0x6880] =	vst v63  }
0x9e: {  	_ =	swait.ge [sflag:s7], $0x3100  }
0x9f: {  	[sflag:s7] =	ssyncset.done $0x0  }
0xa0: {  	[sflag:s7] =	ssyncadd.s32 $0xFFFFCF00  }
0xa1: {  	v1 =	vld [tilespmem:$0x6800]  }
0xa2: {  	v2 =	vld [tilespmem:$0x3400];
	_ =	sdelay $0x4  }
0xa3: {  	v1 =	vadd.f32 v2, v1;
	_ =	sdelay $0x1  }
0xa4: {  	[tilespmem:$0x6800] =	vst v1  }
0xa5: {  	[tilespmem:s5], [sflag:$0x2] =	stream.linear.gather [hbm4b:s9+s2], $0x3100, $0x38;
	[tilespmem:$0x6880] =	vst v63  }
0xa6: {  	_ =	swait.ge [sflag:s6], $0x3100  }
0xa7: {  	[sflag:s6] =	ssyncset.done $0x0  }
0xa8: {  	[sflag:s6] =	ssyncadd.s32 $0xFFFFCF00  }
0xa9: {  	v1 =	vld [tilespmem:$0x6800]  }
0xaa: {  	v2 =	vld [tilespmem:$0x0];
	_ =	sdelay $0x4  }
0xab: {  	v1 =	vadd.f32 v2, v1;
	_ =	sdelay $0x1  }
0xac: {  	[tilespmem:$0x6800] =	vst v1  }
0xad: {  	[tilespmem:s2], [sflag:$0x1] =	stream.linear.gather [hbm4b:s10+s2], $0x3100, $0x38;
	[tilespmem:$0x6880] =	vst v63  }
0xae: {  	_ =	swait.ge [sflag:s7], $0x3100  }
0xaf: {  	[sflag:s7] =	ssyncset.done $0x0  }
0xb0: {  	[sflag:s7] =	ssyncadd.s32 $0xFFFFCF00  }
0xb1: {  	v1 =	vld [tilespmem:$0x6800]  }
0xb2: {  	v2 =	vld [tilespmem:$0x3400];
	_ =	sdelay $0x4  }
0xb3: {  	v1 =	vadd.f32 v2, v1;
	_ =	sdelay $0x1  }
0xb4: {  	[tilespmem:$0x6800] =	vst v1  }
0xb5: {  	[tilespmem:s5], [sflag:$0x2] =	stream.linear.gather [hbm4b:s11+s2], $0x3100, $0x38;
	[tilespmem:$0x6880] =	vst v63  }
0xb6: {  	_ =	swait.ge [sflag:s6], $0x3100  }
0xb7: {  	[sflag:s6] =	ssyncset.done $0x0  }
0xb8: {  	[sflag:s6] =	ssyncadd.s32 $0xFFFFCF00  }
0xb9: {  	v1 =	vld [tilespmem:$0x6800]  }
0xba: {  	v2 =	vld [tilespmem:$0x0];
	_ =	sdelay $0x4  }
0xbb: {  	v1 =	vadd.f32 v2, v1;
	_ =	sdelay $0x1  }
0xbc: {  	[tilespmem:$0x6800] =	vst v1  }
0xbd: {  	[tilespmem:s2], [sflag:$0x1] =	stream.linear.gather [hbm4b:s12+s2], $0x3100, $0x38;
	[tilespmem:$0x6880] =	vst v63  }
0xbe: {  	_ =	swait.ge [sflag:s7], $0x3100  }
0xbf: {  	[sflag:s7] =	ssyncset.done $0x0  }
0xc0: {  	[sflag:s7] =	ssyncadd.s32 $0xFFFFCF00  }
0xc1: {  	v1 =	vld [tilespmem:$0x6800]  }
0xc2: {  	v2 =	vld [tilespmem:$0x3400];
	_ =	sdelay $0x4  }
0xc3: {  	v1 =	vadd.f32 v2, v1;
	_ =	sdelay $0x1  }
0xc4: {  	[tilespmem:$0x6800] =	vst v1  }
0xc5: {  	[tilespmem:s5], [sflag:$0x2] =	stream.linear.gather [hbm4b:s13+s2], $0x3100, $0x38;
	[tilespmem:$0x6880] =	vst v63  }
0xc6: {  	_ =	swait.ge [sflag:s6], $0x3100  }
0xc7: {  	[sflag:s6] =	ssyncset.done $0x0  }
0xc8: {  	[sflag:s6] =	ssyncadd.s32 $0xFFFFCF00  }
0xc9: {  	v1 =	vld [tilespmem:$0x6800]  }
0xca: {  	v2 =	vld [tilespmem:$0x0];
	_ =	sdelay $0x4  }
0xcb: {  	v1 =	vadd.f32 v2, v1;
	_ =	sdelay $0x1  }
0xcc: {  	[tilespmem:$0x6800] =	vst v1  }
0xcd: {  	[tilespmem:s2], [sflag:$0x1] =	stream.linear.gather [hbm4b:s14+s2], $0x3100, $0x38;
	[tilespmem:$0x6880] =	vst v63  }
0xce: {  	_ =	swait.ge [sflag:s7], $0x3100  }
0xcf: {  	[sflag:s7] =	ssyncset.done $0x0  }
0xd0: {  	[sflag:s7] =	ssyncadd.s32 $0xFFFFCF00  }
0xd1: {  	v1 =	vld [tilespmem:$0x6800]  }
0xd2: {  	v2 =	vld [tilespmem:$0x3400];
	_ =	sdelay $0x4  }
0xd3: {  	v1 =	vadd.f32 v2, v1;
	_ =	sdelay $0x1  }
0xd4: {  	[tilespmem:$0x6800] =	vst v1  }
0xd5: {  	[tilespmem:s5], [sflag:$0x2] =	stream.linear.gather [hbm4b:s15+s2], $0x3100, $0x38;
	[tilespmem:$0x6880] =	vst v63  }
0xd6: {  	_ =	swait.ge [sflag:s6], $0x3100  }
0xd7: {  	[sflag:s6] =	ssyncset.done $0x0  }
0xd8: {  	[sflag:s6] =	ssyncadd.s32 $0xFFFFCF00  }
0xd9: {  	v1 =	vld [tilespmem:$0x6800]  }
0xda: {  	v2 =	vld [tilespmem:$0x0];
	_ =	sdelay $0x4  }
0xdb: {  	v1 =	vadd.f32 v2, v1;
	_ =	sdelay $0x1  }
0xdc: {  	[tilespmem:$0x6800] =	vst v1  }
0xdd: {  	[tilespmem:s2], [sflag:$0x1] =	stream.linear.gather [hbm4b:s16+s2], $0x3100, $0x38;
	[tilespmem:$0x6880] =	vst v63  }
0xde: {  	_ =	swait.ge [sflag:s7], $0x3100  }
0xdf: {  	[sflag:s7] =	ssyncset.done $0x0  }
0xe0: {  	[sflag:s7] =	ssyncadd.s32 $0xFFFFCF00  }
0xe1: {  	v1 =	vld [tilespmem:$0x6800]  }
0xe2: {  	v2 =	vld [tilespmem:$0x3400];
	_ =	sdelay $0x4  }
0xe3: {  	v1 =	vadd.f32 v2, v1;
	_ =	sdelay $0x1  }
0xe4: {  	[tilespmem:$0x6800] =	vst v1  }
0xe5: {  	[tilespmem:s5], [sflag:$0x2] =	stream.linear.gather [hbm4b:s17+s2], $0x3100, $0x38;
	[tilespmem:$0x6880] =	vst v63  }
0xe6: {  	_ =	swait.ge [sflag:s6], $0x3100  }
0xe7: {  	[sflag:s6] =	ssyncset.done $0x0  }
0xe8: {  	[sflag:s6] =	ssyncadd.s32 $0xFFFFCF00  }
0xe9: {  	v1 =	vld [tilespmem:$0x6800]  }
0xea: {  	v2 =	vld [tilespmem:$0x0];
	_ =	sdelay $0x4  }
0xeb: {  	v1 =	vadd.f32 v2, v1;
	_ =	sdelay $0x1  }
0xec: {  	[tilespmem:$0x6800] =	vst v1  }
0xed: {  	[tilespmem:s2], [sflag:$0x1] =	stream.linear.gather [hbm4b:s18+s2], $0x3100, $0x38;
	[tilespmem:$0x6880] =	vst v63  }
0xee: {  	_ =	swait.ge [sflag:s7], $0x3100  }
0xef: {  	[sflag:s7] =	ssyncset.done $0x0  }
0xf0: {  	[sflag:s7] =	ssyncadd.s32 $0xFFFFCF00  }
0xf1: {  	v1 =	vld [tilespmem:$0x6800]  }
0xf2: {  	v2 =	vld [tilespmem:$0x3400];
	_ =	sdelay $0x4  }
0xf3: {  	v1 =	vadd.f32 v2, v1;
	_ =	sdelay $0x1  }
0xf4: {  	[tilespmem:$0x6800] =	vst v1  }
0xf5: {  	[tilespmem:s5], [sflag:$0x2] =	stream.linear.gather [hbm4b:s19+s2], $0x3100, $0x38;
	[tilespmem:$0x6880] =	vst v63  }
0xf6: {  	_ =	swait.ge [sflag:s6], $0x3100  }
0xf7: {  	[sflag:s6] =	ssyncset.done $0x0  }
0xf8: {  	[sflag:s6] =	ssyncadd.s32 $0xFFFFCF00  }
0xf9: {  	v1 =	vld [tilespmem:$0x6800]  }
0xfa: {  	v2 =	vld [tilespmem:$0x0];
	_ =	sdelay $0x4  }
0xfb: {  	v1 =	vadd.f32 v2, v1;
	_ =	sdelay $0x1  }
0xfc: {  	[tilespmem:$0x6800] =	vst v1  }
0xfd: {  	[tilespmem:s2], [sflag:$0x1] =	stream.linear.gather [hbm4b:s20+s2], $0x3100, $0x38;
	[tilespmem:$0x6880] =	vst v63  }
0xfe: {  	_ =	swait.ge [sflag:s7], $0x3100  }
0xff: {  	[sflag:s7] =	ssyncset.done $0x0  }
0x100: {  	[sflag:s7] =	ssyncadd.s32 $0xFFFFCF00  }
0x101: {  	v1 =	vld [tilespmem:$0x6800]  }
0x102: {  	v2 =	vld [tilespmem:$0x3400];
	_ =	sdelay $0x4  }
0x103: {  	v1 =	vadd.f32 v2, v1;
	_ =	sdelay $0x1  }
0x104: {  	[tilespmem:$0x6800] =	vst v1  }
0x105: {  	[tilespmem:s5], [sflag:$0x2] =	stream.linear.gather [hbm4b:s21+s2], $0x3100, $0x38;
	[tilespmem:$0x6880] =	vst v63  }
0x106: {  	_ =	swait.ge [sflag:s6], $0x3100  }
0x107: {  	[sflag:s6] =	ssyncset.done $0x0  }
0x108: {  	[sflag:s6] =	ssyncadd.s32 $0xFFFFCF00  }
0x109: {  	v1 =	vld [tilespmem:$0x6800]  }
0x10a: {  	v2 =	vld [tilespmem:$0x0]  }
.Ltmp1:
0x10b: {  	(pc) =	sbr.rel @p0 .LBB2_1-.Ltmp1, $2  }
0x10c: {  	_ =	sdelay $0x2  }
0x10d: {  	v1 =	vadd.f32 v2, v1  }
.LBB2_2:
0x10e: {  	_ = 	snop  }
0x10f: {  	[tilespmem:$0x6800] =	vst v1  }
0x110: {  	_ =	swait.ge [sflag:s7], $0x3100  }
0x111: {  	[sflag:s7] =	ssyncset.done $0x0  }
0x112: {  	[sflag:s7] =	ssyncadd.s32 $0xFFFFCF00  }
0x113: {  	v0 =	vld [tilespmem:$0x3400];
	_ =	sdelay $0x4  }
0x114: {  	v0 =	vadd.f32 v0, v1;
	_ =	sdelay $0x1  }
0x115: {  	[tilespmem:$0x6800] =	vst v0  }
0x116: {  	[hbm4b:s22+s2] =	stream.linear.scatter [tilespmem:s24], [sflag:$0x3], $0x80, $0x38;
	[tilespmem:$0x6880] =	vst v63  }
0x117: {  	_ =	swait.ge [sflag:s23], $0x80  }
0x118: {  	[sflag:s23] =	ssyncset.done $0x0  }
0x119: {  	[sflag:s23] =	ssyncadd.s32 $0xFFFFFF80  }
0x11a: {  	_ =	sfence.sel $0x180000  }
0x11b: {  	[bflag:$0x0] =	sbarrier.arrive $0xFFFF  }
0x11c: {  	p0 =	sne.s32 s0, $0x0;
	_ =	strace $0x90000047  }
0x11d: {  	s0 =	sadd.s32 @!p0 $0x100000, s1;
	[bflag:$0x2] =	sbarrier.arrive $0xFFFF  }
0x11e: {  	[sflag:s0] =	ssyncadd.tile.s32 @!p0 $0x1;
	_ =	shalt  }
.Lfunc_end2:
_tile_overlayer_lowered:
.L_overlay_start_2:
0x11f: {  	(tag) =	ssettag $0x2  }
0x120: {  	s0 =	rddreg [dreg:$0x0];
	s2 =	stileid.u32  }
0x121: {  	s1 =	rddreg [dreg:$0x1];
	p0 =	sne.s32 s2, $0x0  }
0x122: {  	s3 =	rddreg [dreg:$0x2];
	[bflag:$0x3] =	sbarrier.arrive $0xFFFF;
	s2 =	simm.s32 @!p0 $0x1C03  }
0x123: {  	[timem:s3], [sflag:s2] =	dma.local @!p0 [hbm:s0], s1  }
0x124: {  	s0 =	simm.s32 @!p0 $0x3  }
0x125: {  	_ =	swait.ge @!p0 [sflag:s0], s1  }
0x126: {  	s1 =	ssub.s32 @!p0 $0x0, s1;
	[sflag:s0] =	ssyncset.done @!p0 $0x0  }
0x127: {  	[sflag:s0] =	ssyncadd.s32 @!p0 s1  }
0x128: {  	[bflag:$0x3] =	sbarrier.arrive $0xFFFF  }
0x129: {  	_ =	shalt  }

</sc_bundles>
